<compile_context>
chip_gen: v7x
topology: tpu7x:2x2x1
jax: 0.10.2.dev20260603
libtpu: 0.0.44.dev20260713+nightly
codegen_flags: <defaults>
</compile_context>

<pallas_src>
import functools

import jax
import jax.numpy as jnp
from jax import lax
from jax.experimental import pallas as pl
from jax.experimental.pallas import tpu as pltpu
from jax.experimental.pallas import tpu_sc as plsc

DIMS = 1024
EXPNS = 4096
NEXP = 4
BATCH = 128
TJ = 1024
NJ = EXPNS // TJ
GRID = NEXP * NJ
TPW = 16
NWORK = BATCH // TPW


def _rmsnorm(x, w, eps=1e-6):
    return w * x * lax.rsqrt(jnp.mean(x * x, axis=-1, keepdims=True) + eps)


def _mm_bf16(a, b):
    return lax.dot_general(
        a.astype(jnp.bfloat16), b.astype(jnp.bfloat16),
        (((1,), (1,)), ((), ())), preferred_element_type=jnp.float32)


def _prologue_kernel(x_ref, w1_ref, w2_ref, wv_ref, wo_ref, wg_ref,
                     h_ref, hn_ref, gt_ref):
    x = x_ref[...]
    xn = _rmsnorm(x, w1_ref[...])
    v = _mm_bf16(xn, wv_ref[...])
    attn = _mm_bf16(v, wo_ref[...])
    h = x + attn
    h_ref[...] = h
    hn = _rmsnorm(h, w2_ref[...])
    hn_ref[...] = hn.astype(jnp.bfloat16)
    gt_ref[...] = lax.dot_general(wg_ref[...], hn, (((1,), (1,)), ((), ())),
                                  preferred_element_type=jnp.float32,
                                  precision=lax.Precision.HIGHEST)


def _sc_gating(gt_flat):
    mesh = plsc.VectorSubcoreMesh(core_axis_name="c", subcore_axis_name="s")
    info = plsc.get_sparse_core_info()
    nc = info.num_cores

    @functools.partial(
        pl.kernel, mesh=mesh,
        out_type=jax.ShapeDtypeStruct((NEXP * BATCH,), jnp.float32),
        scratch_types=[pltpu.VMEM((TPW,), jnp.float32)
                       for _ in range(2 * NEXP)],
    )
    def k(g_hbm, w_hbm, g0, g1, g2, g3, o0, o1, o2, o3):
        wid = lax.axis_index("s") * nc + lax.axis_index("c")

        @pl.when(wid < NWORK)
        def _work():
            base = wid * TPW
            gs = [g0, g1, g2, g3]
            os_ = [o0, o1, o2, o3]
            for c in range(NEXP):
                pltpu.sync_copy(g_hbm.at[pl.ds(c * BATCH + base, TPW)], gs[c])
            g = [r[...] for r in gs]
            neg = jnp.float32(-1e30)
            m1 = jnp.maximum(jnp.maximum(g[0], g[1]),
                             jnp.maximum(g[2], g[3]))
            i1 = jnp.where(g[0] == m1, 0.0,
                           jnp.where(g[1] == m1, 1.0,
                                     jnp.where(g[2] == m1, 2.0, 3.0)))
            gm = [jnp.where(i1 == float(c), neg, g[c]) for c in range(NEXP)]
            m2 = jnp.maximum(jnp.maximum(gm[0], gm[1]),
                             jnp.maximum(gm[2], gm[3]))
            i2 = jnp.where(gm[0] == m2, 0.0,
                           jnp.where(gm[1] == m2, 1.0,
                                     jnp.where(gm[2] == m2, 2.0, 3.0)))
            e2 = jnp.exp(m2 - m1)
            denom = 1.0 + e2
            p1 = 1.0 / denom
            p2 = e2 / denom
            for c in range(NEXP):
                os_[c][...] = (jnp.where(i1 == float(c), p1, 0.0)
                               + jnp.where(i2 == float(c), p2, 0.0))
                pltpu.sync_copy(os_[c],
                                w_hbm.at[pl.ds(c * BATCH + base, TPW)])

    return k(gt_flat)


def _moe_kernel(hn_ref, w1e_ref, w2e_ref, w3e_ref, ys_ref):
    j = pl.program_id(0) % NJ

    @pl.when(j == 0)
    def _init():
        ys_ref[...] = jnp.zeros_like(ys_ref)

    hn = hn_ref[...]
    a = _mm_bf16(hn, w1e_ref[0])
    b = _mm_bf16(hn, w2e_ref[0])
    u = (a * lax.logistic(a)) * b
    ys_ref[0] += _mm_bf16(u, w3e_ref[0])


def _combine_kernel(h_ref, ys_ref, wt_ref, out_ref):
    r = lax.broadcasted_iota(jnp.int32, (BATCH, BATCH), 0)
    c = lax.broadcasted_iota(jnp.int32, (BATCH, BATCH), 1)
    eye = (r == c).astype(jnp.float32)
    wmat = lax.dot_general(eye, wt_ref[...], (((1,), (1,)), ((), ())),
                           preferred_element_type=jnp.float32,
                           precision=lax.Precision.HIGHEST)
    acc = h_ref[...]
    for e in range(NEXP):
        acc = acc + ys_ref[e] * wmat[:, e, None]
    out_ref[...] = acc


@functools.partial(jax.jit, static_argnames=())
def kernel(xmat, mask, Wq, Wk, Wv, Wo, Wg, W1, W2, W3, w1, w2):
    x = xmat[:, 0, :]

    h, hn_bf, gt = pl.pallas_call(
        _prologue_kernel,
        out_shape=(
            jax.ShapeDtypeStruct((BATCH, DIMS), jnp.float32),
            jax.ShapeDtypeStruct((BATCH, DIMS), jnp.bfloat16),
            jax.ShapeDtypeStruct((NEXP, BATCH), jnp.float32),
        ),
    )(x, w1.reshape(1, DIMS), w2.reshape(1, DIMS), Wv, Wo, Wg)

    wt = _sc_gating(gt.reshape(NEXP * BATCH)).reshape(NEXP, BATCH)

    ys = pl.pallas_call(
        _moe_kernel,
        grid=(GRID,),
        in_specs=[
            pl.BlockSpec((BATCH, DIMS), lambda i: (0, 0)),
            pl.BlockSpec((1, TJ, DIMS), lambda i: (i // NJ, i % NJ, 0)),
            pl.BlockSpec((1, TJ, DIMS), lambda i: (i // NJ, i % NJ, 0)),
            pl.BlockSpec((1, DIMS, TJ), lambda i: (i // NJ, 0, i % NJ)),
        ],
        out_specs=pl.BlockSpec((1, BATCH, DIMS), lambda i: (i // NJ, 0, 0)),
        out_shape=jax.ShapeDtypeStruct((NEXP, BATCH, DIMS), jnp.float32),
        compiler_params=pltpu.CompilerParams(
            dimension_semantics=("arbitrary",)),
    )(hn_bf, W1, W2, W3)

    out = pl.pallas_call(
        _combine_kernel,
        out_shape=jax.ShapeDtypeStruct((BATCH, DIMS), jnp.float32),
    )(h, ys, wt)

    return out[:, None, :]

# --- scband reference (transcript-rebuilt; emitter-appended) ---
"""Pipeline reference for scband-block-57492432224435 (READ-ONLY COPY).

The authoritative reference and input builder live on the scoring server;
editing this copy changes nothing except your own understanding.
"""

import jax, jax.numpy as jnp
import numpy as np

DIMS = 1024
HEADS = 16
EXPNS = 4096
NEXP = 4
KEXP = 2
BATCH = 128
SEQ = 1


def rmsnorm(x, w, eps=1e-06):
    return w * x * jax.lax.rsqrt(jnp.mean(x * x, axis=-1, keepdims=True) + eps)


def rotary(x, base=10000.0):
    B, L, H, D = x.shape
    idxs = jnp.arange(0, D, 2, dtype=jnp.float32)
    pos = jnp.arange(L, dtype=jnp.float32)[:, None]
    t = pos / (base ** (idxs / D))
    s, c = jnp.sin(t), jnp.cos(t)
    x0 = x[..., 0::2]
    x1 = x[..., 1::2]
    out = jnp.stack([x0 * c - x1 * s, x0 * s + x1 * c], axis=-1)
    return out.reshape(B, L, H, D)


def attention(x, mask, Wq, Wk, Wv, Wo, heads):
    B, L, d = x.shape
    hd = d // heads
    q = (x @ Wq.T).reshape(B, L, heads, hd)
    k = (x @ Wk.T).reshape(B, L, heads, hd)
    v = (x @ Wv.T).reshape(B, L, heads, hd)
    q = jnp.transpose(rotary(q), (0, 2, 1, 3))
    k = jnp.transpose(rotary(k), (0, 2, 1, 3))
    v = jnp.transpose(v, (0, 2, 1, 3))
    amask = jnp.where(mask == 0, -jnp.inf, mask)
    logits = (q @ jnp.swapaxes(k, -1, -2)) / jnp.sqrt(jnp.float32(hd)) + amask
    a = jax.nn.softmax(logits, axis=-1)
    o = a @ v
    o = jnp.transpose(o, (0, 2, 1, 3)).reshape(B, L, d)
    return o @ Wo.T


def mlp(x, W1, W2, W3):
    return (jax.nn.silu(x @ W1.T) * (x @ W2.T)) @ W3.T


def moe(x, Wg, W1, W2, W3):
    g = x @ Wg.T
    vals, idx = jax.lax.top_k(g, KEXP)
    vals = jax.nn.softmax(vals - jnp.max(vals, axis=-1, keepdims=True), axis=-1)
    y = jnp.zeros_like(x)
    for e in range(NEXP):
        w_e = jnp.sum(jnp.where(idx == e, vals, 0.0), axis=-1, keepdims=True)
        y = y + mlp(x, W1[e], W2[e], W3[e]) * w_e
    return y


def setup_inputs(seed: int = 0):
    key = jax.random.key(seed)
    ks = jax.random.split(key, 12)
    xmat = jax.random.normal(ks[0], (BATCH, SEQ, DIMS), dtype=jnp.float32)
    mask = jnp.ones((BATCH, HEADS, SEQ, SEQ), dtype=jnp.float32)
    Wq = jax.random.normal(ks[1], (DIMS, DIMS), dtype=jnp.float32) * 0.02
    Wk = jax.random.normal(ks[2], (DIMS, DIMS), dtype=jnp.float32) * 0.02
    Wv = jax.random.normal(ks[3], (DIMS, DIMS), dtype=jnp.float32) * 0.02
    Wo = jax.random.normal(ks[4], (DIMS, DIMS), dtype=jnp.float32) * 0.02
    Wg = jax.random.normal(ks[5], (NEXP, DIMS), dtype=jnp.float32) * 0.02
    W1 = jax.random.normal(ks[6], (NEXP, EXPNS, DIMS), dtype=jnp.float32) * 0.02
    W2 = jax.random.normal(ks[7], (NEXP, EXPNS, DIMS), dtype=jnp.float32) * 0.02
    W3 = jax.random.normal(ks[8], (NEXP, DIMS, EXPNS), dtype=jnp.float32) * 0.02
    w1 = jnp.ones((DIMS,), dtype=jnp.float32)
    w2 = jnp.ones((DIMS,), dtype=jnp.float32)
    return {"xmat": xmat, "mask": mask, "Wq": Wq, "Wk": Wk, "Wv": Wv, "Wo": Wo, "Wg": Wg, "W1": W1, "W2": W2, "W3": W3, "w1": w1, "w2": w2}


def reference(xmat, mask, Wq, Wk, Wv, Wo, Wg, W1, W2, W3, w1, w2):
    h = xmat + attention(rmsnorm(xmat, w1), mask, Wq, Wk, Wv, Wo, HEADS)
    return h + moe(rmsnorm(h, w2), Wg, W1, W2, W3)

if __name__ == "__main__":
    import jax
    _d = setup_inputs()
    print(jax.jit(kernel)(*tuple(_d.values())))

</pallas_src>

<mosaic_0001>
#map = affine_map<(d0, d1) -> (0)>
module attributes {stable_mosaic.version = 14 : i64} {
  func.func @k(%arg0: i32, %arg1: i32, %arg2: memref<512xf32, #tpu.memory_space<hbm>>, %arg3: memref<512xf32, #tpu.memory_space<hbm>>, %arg4: memref<16xf32, #tpu.memory_space<vmem>>, %arg5: memref<16xf32, #tpu.memory_space<vmem>>, %arg6: memref<16xf32, #tpu.memory_space<vmem>>, %arg7: memref<16xf32, #tpu.memory_space<vmem>>, %arg8: memref<16xf32, #tpu.memory_space<vmem>>, %arg9: memref<16xf32, #tpu.memory_space<vmem>>, %arg10: memref<16xf32, #tpu.memory_space<vmem>>, %arg11: memref<16xf32, #tpu.memory_space<vmem>>) attributes {dimension_semantics = [#tpu.dimension_semantics<core_parallel>, #tpu.dimension_semantics<subcore_parallel>], iteration_bounds = array<i64: 2, 16>, scalar_prefetch = 0 : i64, scratch_operands = 8 : i64, tpu.core_type = #tpu.core_type<sc_vector_subcore>, window_params = [{transform_indices = #map}, {transform_indices = #map}]} {
    %mul3A = arith.constant 2 : i32
    %mul3A_0 = arith.muli %arg1, %mul3A : i32
    %add3A = arith.addi %mul3A_0, %arg0 : i32
    %lt3A = arith.constant 8 : i32
    %lt3A_1 = arith.cmpi slt, %add3A, %lt3A : i32
    %convert_element_type3A = arith.extui %lt3A_1 : i1 to i32
    %cond3A = arith.constant 0 : i32
    %cond3A_2 = arith.cmpi ne, %convert_element_type3A, %cond3A : i32
    scf.if %cond3A_2 {
      %mul3A_3 = arith.constant 16 : i32
      %mul3A_4 = arith.muli %add3A, %mul3A_3 : i32
      %add3A_5 = arith.constant 0 : i32
      %add3A_6 = arith.addi %add3A_5, %mul3A_4 : i32
      "tpu.region"() ({
        %run_scoped3A = tpu.sem_alloc : memref<!tpu.dma_semaphore, #tpu.memory_space<semaphore_mem>>
        %dma_start3A = tpu.memref_slice %arg2[%add3A_6] : memref<512xf32, #tpu.memory_space<hbm>> -> memref<16xf32, #tpu.memory_space<hbm>>
        %dma_start3A_158 = tpu.memref_slice %arg2[%add3A_6] : memref<512xf32, #tpu.memory_space<hbm>> -> memref<16xf32, #tpu.memory_space<hbm>>
        tpu.enqueue_dma source(%dma_start3A_158 : memref<16xf32, #tpu.memory_space<hbm>>) target(%arg4 : memref<16xf32, #tpu.memory_space<vmem>>) target_semaphore(%run_scoped3A : memref<!tpu.dma_semaphore, #tpu.memory_space<semaphore_mem>>)
        %dma_wait3A = tpu.memref_slice %arg2[%add3A_6] : memref<512xf32, #tpu.memory_space<hbm>> -> memref<16xf32, #tpu.memory_space<hbm>>
        %dma_wait3A_159 = tpu.memref_slice %arg2[%add3A_6] : memref<512xf32, #tpu.memory_space<hbm>> -> memref<16xf32, #tpu.memory_space<hbm>>
        tpu.wait_dma2 semaphore(%run_scoped3A : memref<!tpu.dma_semaphore, #tpu.memory_space<semaphore_mem>>) src(%dma_wait3A_159 : memref<16xf32, #tpu.memory_space<hbm>>) dst(%arg4 : memref<16xf32, #tpu.memory_space<vmem>>)
        tpu.yield
      }) : () -> ()
      %add3A_7 = arith.constant 128 : i32
      %add3A_8 = arith.addi %add3A_7, %mul3A_4 : i32
      "tpu.region"() ({
        %run_scoped3A = tpu.sem_alloc : memref<!tpu.dma_semaphore, #tpu.memory_space<semaphore_mem>>
        %dma_start3A = tpu.memref_slice %arg2[%add3A_8] : memref<512xf32, #tpu.memory_space<hbm>> -> memref<16xf32, #tpu.memory_space<hbm>>
        %dma_start3A_158 = tpu.memref_slice %arg2[%add3A_8] : memref<512xf32, #tpu.memory_space<hbm>> -> memref<16xf32, #tpu.memory_space<hbm>>
        tpu.enqueue_dma source(%dma_start3A_158 : memref<16xf32, #tpu.memory_space<hbm>>) target(%arg5 : memref<16xf32, #tpu.memory_space<vmem>>) target_semaphore(%run_scoped3A : memref<!tpu.dma_semaphore, #tpu.memory_space<semaphore_mem>>)
        %dma_wait3A = tpu.memref_slice %arg2[%add3A_8] : memref<512xf32, #tpu.memory_space<hbm>> -> memref<16xf32, #tpu.memory_space<hbm>>
        %dma_wait3A_159 = tpu.memref_slice %arg2[%add3A_8] : memref<512xf32, #tpu.memory_space<hbm>> -> memref<16xf32, #tpu.memory_space<hbm>>
        tpu.wait_dma2 semaphore(%run_scoped3A : memref<!tpu.dma_semaphore, #tpu.memory_space<semaphore_mem>>) src(%dma_wait3A_159 : memref<16xf32, #tpu.memory_space<hbm>>) dst(%arg5 : memref<16xf32, #tpu.memory_space<vmem>>)
        tpu.yield
      }) : () -> ()
      %add3A_9 = arith.constant 256 : i32
      %add3A_10 = arith.addi %add3A_9, %mul3A_4 : i32
      "tpu.region"() ({
        %run_scoped3A = tpu.sem_alloc : memref<!tpu.dma_semaphore, #tpu.memory_space<semaphore_mem>>
        %dma_start3A = tpu.memref_slice %arg2[%add3A_10] : memref<512xf32, #tpu.memory_space<hbm>> -> memref<16xf32, #tpu.memory_space<hbm>>
        %dma_start3A_158 = tpu.memref_slice %arg2[%add3A_10] : memref<512xf32, #tpu.memory_space<hbm>> -> memref<16xf32, #tpu.memory_space<hbm>>
        tpu.enqueue_dma source(%dma_start3A_158 : memref<16xf32, #tpu.memory_space<hbm>>) target(%arg6 : memref<16xf32, #tpu.memory_space<vmem>>) target_semaphore(%run_scoped3A : memref<!tpu.dma_semaphore, #tpu.memory_space<semaphore_mem>>)
        %dma_wait3A = tpu.memref_slice %arg2[%add3A_10] : memref<512xf32, #tpu.memory_space<hbm>> -> memref<16xf32, #tpu.memory_space<hbm>>
        %dma_wait3A_159 = tpu.memref_slice %arg2[%add3A_10] : memref<512xf32, #tpu.memory_space<hbm>> -> memref<16xf32, #tpu.memory_space<hbm>>
        tpu.wait_dma2 semaphore(%run_scoped3A : memref<!tpu.dma_semaphore, #tpu.memory_space<semaphore_mem>>) src(%dma_wait3A_159 : memref<16xf32, #tpu.memory_space<hbm>>) dst(%arg6 : memref<16xf32, #tpu.memory_space<vmem>>)
        tpu.yield
      }) : () -> ()
      %add3A_11 = arith.constant 384 : i32
      %add3A_12 = arith.addi %add3A_11, %mul3A_4 : i32
      "tpu.region"() ({
        %run_scoped3A = tpu.sem_alloc : memref<!tpu.dma_semaphore, #tpu.memory_space<semaphore_mem>>
        %dma_start3A = tpu.memref_slice %arg2[%add3A_12] : memref<512xf32, #tpu.memory_space<hbm>> -> memref<16xf32, #tpu.memory_space<hbm>>
        %dma_start3A_158 = tpu.memref_slice %arg2[%add3A_12] : memref<512xf32, #tpu.memory_space<hbm>> -> memref<16xf32, #tpu.memory_space<hbm>>
        tpu.enqueue_dma source(%dma_start3A_158 : memref<16xf32, #tpu.memory_space<hbm>>) target(%arg7 : memref<16xf32, #tpu.memory_space<vmem>>) target_semaphore(%run_scoped3A : memref<!tpu.dma_semaphore, #tpu.memory_space<semaphore_mem>>)
        %dma_wait3A = tpu.memref_slice %arg2[%add3A_12] : memref<512xf32, #tpu.memory_space<hbm>> -> memref<16xf32, #tpu.memory_space<hbm>>
        %dma_wait3A_159 = tpu.memref_slice %arg2[%add3A_12] : memref<512xf32, #tpu.memory_space<hbm>> -> memref<16xf32, #tpu.memory_space<hbm>>
        tpu.wait_dma2 semaphore(%run_scoped3A : memref<!tpu.dma_semaphore, #tpu.memory_space<semaphore_mem>>) src(%dma_wait3A_159 : memref<16xf32, #tpu.memory_space<hbm>>) dst(%arg7 : memref<16xf32, #tpu.memory_space<vmem>>)
        tpu.yield
      }) : () -> ()
      %get3A = arith.constant 0 : index
      %get3A_13 = tpu.vector_load %arg4[%get3A] {strides = array<i32>} : memref<16xf32, #tpu.memory_space<vmem>>, vector<16xf32>,
      %get3A_14 = vector.shape_cast %get3A_13 : vector<16xf32> to vector<16xf32>
      %get3A_15 = arith.constant 0 : index
      %get3A_16 = tpu.vector_load %arg5[%get3A_15] {strides = array<i32>} : memref<16xf32, #tpu.memory_space<vmem>>, vector<16xf32>,
      %get3A_17 = vector.shape_cast %get3A_16 : vector<16xf32> to vector<16xf32>
      %get3A_18 = arith.constant 0 : index
      %get3A_19 = tpu.vector_load %arg6[%get3A_18] {strides = array<i32>} : memref<16xf32, #tpu.memory_space<vmem>>, vector<16xf32>,
      %get3A_20 = vector.shape_cast %get3A_19 : vector<16xf32> to vector<16xf32>
      %get3A_21 = arith.constant 0 : index
      %get3A_22 = tpu.vector_load %arg7[%get3A_21] {strides = array<i32>} : memref<16xf32, #tpu.memory_space<vmem>>, vector<16xf32>,
      %get3A_23 = vector.shape_cast %get3A_22 : vector<16xf32> to vector<16xf32>
      %max3A = arith.maximumf %get3A_14, %get3A_17 : vector<16xf32>
      %max3A_24 = arith.maximumf %get3A_20, %get3A_23 : vector<16xf32>
      %max3A_25 = arith.maximumf %max3A, %max3A_24 : vector<16xf32>
      %eq3A = arith.cmpf oeq, %get3A_14, %max3A_25 : vector<16xf32>
      %eq3A_26 = arith.cmpf oeq, %get3A_17, %max3A_25 : vector<16xf32>
      %eq3A_27 = arith.cmpf oeq, %get3A_20, %max3A_25 : vector<16xf32>
      %jit3A = arith.constant 2.000000e+00 : f32
      %jit3A_28 = arith.constant 3.000000e+00 : f32
      %broadcast_in_dim3A = vector.broadcast %jit3A : f32 to vector<16xf32>
      %broadcast_in_dim3A_29 = vector.broadcast %jit3A_28 : f32 to vector<16xf32>
      %select_n3A = arith.select %eq3A_27, %broadcast_in_dim3A, %broadcast_in_dim3A_29 : vector<16xi1>, vector<16xf32>
      %jit3A_30 = arith.constant 1.000000e+00 : f32
      %broadcast_in_dim3A_31 = vector.broadcast %jit3A_30 : f32 to vector<16xf32>
      %select_n3A_32 = arith.select %eq3A_26, %broadcast_in_dim3A_31, %select_n3A : vector<16xi1>, vector<16xf32>
      %jit3A_33 = arith.constant 0.000000e+00 : f32
      %broadcast_in_dim3A_34 = vector.broadcast %jit3A_33 : f32 to vector<16xf32>
      %select_n3A_35 = arith.select %eq3A, %broadcast_in_dim3A_34, %select_n3A_32 : vector<16xi1>, vector<16xf32>
      %eq3A_36 = arith.constant 0.000000e+00 : f32
      %eq3A_37 = vector.broadcast %eq3A_36 : f32 to vector<16xf32>
      %eq3A_38 = arith.cmpf oeq, %select_n3A_35, %eq3A_37 : vector<16xf32>
      %jit3A_39 = arith.constant -1.000000e+30 : f32
      %broadcast_in_dim3A_40 = vector.broadcast %jit3A_39 : f32 to vector<16xf32>
      %select_n3A_41 = arith.select %eq3A_38, %broadcast_in_dim3A_40, %get3A_14 : vector<16xi1>, vector<16xf32>
      %eq3A_42 = arith.constant 1.000000e+00 : f32
      %eq3A_43 = vector.broadcast %eq3A_42 : f32 to vector<16xf32>
      %eq3A_44 = arith.cmpf oeq, %select_n3A_35, %eq3A_43 : vector<16xf32>
      %jit3A_45 = arith.constant -1.000000e+30 : f32
      %broadcast_in_dim3A_46 = vector.broadcast %jit3A_45 : f32 to vector<16xf32>
      %select_n3A_47 = arith.select %eq3A_44, %broadcast_in_dim3A_46, %get3A_17 : vector<16xi1>, vector<16xf32>
      %eq3A_48 = arith.constant 2.000000e+00 : f32
      %eq3A_49 = vector.broadcast %eq3A_48 : f32 to vector<16xf32>
      %eq3A_50 = arith.cmpf oeq, %select_n3A_35, %eq3A_49 : vector<16xf32>
      %jit3A_51 = arith.constant -1.000000e+30 : f32
      %broadcast_in_dim3A_52 = vector.broadcast %jit3A_51 : f32 to vector<16xf32>
      %select_n3A_53 = arith.select %eq3A_50, %broadcast_in_dim3A_52, %get3A_20 : vector<16xi1>, vector<16xf32>
      %eq3A_54 = arith.constant 3.000000e+00 : f32
      %eq3A_55 = vector.broadcast %eq3A_54 : f32 to vector<16xf32>
      %eq3A_56 = arith.cmpf oeq, %select_n3A_35, %eq3A_55 : vector<16xf32>
      %jit3A_57 = arith.constant -1.000000e+30 : f32
      %broadcast_in_dim3A_58 = vector.broadcast %jit3A_57 : f32 to vector<16xf32>
      %select_n3A_59 = arith.select %eq3A_56, %broadcast_in_dim3A_58, %get3A_23 : vector<16xi1>, vector<16xf32>
      %max3A_60 = arith.maximumf %select_n3A_41, %select_n3A_47 : vector<16xf32>
      %max3A_61 = arith.maximumf %select_n3A_53, %select_n3A_59 : vector<16xf32>
      %max3A_62 = arith.maximumf %max3A_60, %max3A_61 : vector<16xf32>
      %eq3A_63 = arith.cmpf oeq, %select_n3A_41, %max3A_62 : vector<16xf32>
      %eq3A_64 = arith.cmpf oeq, %select_n3A_47, %max3A_62 : vector<16xf32>
      %eq3A_65 = arith.cmpf oeq, %select_n3A_53, %max3A_62 : vector<16xf32>
      %jit3A_66 = arith.constant 2.000000e+00 : f32
      %jit3A_67 = arith.constant 3.000000e+00 : f32
      %broadcast_in_dim3A_68 = vector.broadcast %jit3A_66 : f32 to vector<16xf32>
      %broadcast_in_dim3A_69 = vector.broadcast %jit3A_67 : f32 to vector<16xf32>
      %select_n3A_70 = arith.select %eq3A_65, %broadcast_in_dim3A_68, %broadcast_in_dim3A_69 : vector<16xi1>, vector<16xf32>
      %jit3A_71 = arith.constant 1.000000e+00 : f32
      %broadcast_in_dim3A_72 = vector.broadcast %jit3A_71 : f32 to vector<16xf32>
      %select_n3A_73 = arith.select %eq3A_64, %broadcast_in_dim3A_72, %select_n3A_70 : vector<16xi1>, vector<16xf32>
      %jit3A_74 = arith.constant 0.000000e+00 : f32
      %broadcast_in_dim3A_75 = vector.broadcast %jit3A_74 : f32 to vector<16xf32>
      %select_n3A_76 = arith.select %eq3A_63, %broadcast_in_dim3A_75, %select_n3A_73 : vector<16xi1>, vector<16xf32>
      %sub3A = arith.subf %max3A_62, %max3A_25 : vector<16xf32>
      %exp3A = math.exp %sub3A : vector<16xf32>
      %add3A_77 = arith.constant 1.000000e+00 : f32
      %add3A_78 = vector.broadcast %add3A_77 : f32 to vector<16xf32>
      %add3A_79 = arith.addf %add3A_78, %exp3A : vector<16xf32>
      %div3A = arith.constant 1.000000e+00 : f32
      %div3A_80 = vector.broadcast %div3A : f32 to vector<16xf32>
      %div3A_81 = arith.divf %div3A_80, %add3A_79 : vector<16xf32>
      %div3A_82 = arith.divf %exp3A, %add3A_79 : vector<16xf32>
      %eq3A_83 = arith.constant 0.000000e+00 : f32
      %eq3A_84 = vector.broadcast %eq3A_83 : f32 to vector<16xf32>
      %eq3A_85 = arith.cmpf oeq, %select_n3A_35, %eq3A_84 : vector<16xf32>
      %jit3A_86 = arith.constant 0.000000e+00 : f32
      %broadcast_in_dim3A_87 = vector.broadcast %jit3A_86 : f32 to vector<16xf32>
      %select_n3A_88 = arith.select %eq3A_85, %div3A_81, %broadcast_in_dim3A_87 : vector<16xi1>, vector<16xf32>
      %eq3A_89 = arith.constant 0.000000e+00 : f32
      %eq3A_90 = vector.broadcast %eq3A_89 : f32 to vector<16xf32>
      %eq3A_91 = arith.cmpf oeq, %select_n3A_76, %eq3A_90 : vector<16xf32>
      %jit3A_92 = arith.constant 0.000000e+00 : f32
      %broadcast_in_dim3A_93 = vector.broadcast %jit3A_92 : f32 to vector<16xf32>
      %select_n3A_94 = arith.select %eq3A_91, %div3A_82, %broadcast_in_dim3A_93 : vector<16xi1>, vector<16xf32>
      %add3A_95 = arith.addf %select_n3A_88, %select_n3A_94 : vector<16xf32>
      %swap3A = arith.constant 0 : index
      %swap3A_96 = tpu.vector_load %arg8[%swap3A] {strides = array<i32>} : memref<16xf32, #tpu.memory_space<vmem>>, vector<16xf32>,
      %swap3A_97 = vector.shape_cast %swap3A_96 : vector<16xf32> to vector<16xf32>
      %swap3A_98 = vector.shape_cast %add3A_95 : vector<16xf32> to vector<16xf32>
      tpu.vector_store %arg8[%swap3A], %swap3A_98 {strides = array<i32>} : memref<16xf32, #tpu.memory_space<vmem>>, vector<16xf32>,
      %add3A_99 = arith.constant 0 : i32
      %add3A_100 = arith.addi %add3A_99, %mul3A_4 : i32
      "tpu.region"() ({
        %run_scoped3A = tpu.sem_alloc : memref<!tpu.dma_semaphore, #tpu.memory_space<semaphore_mem>>
        %dma_start3A = tpu.memref_slice %arg3[%add3A_100] : memref<512xf32, #tpu.memory_space<hbm>> -> memref<16xf32, #tpu.memory_space<hbm>>
        %dma_start3A_158 = tpu.memref_slice %arg3[%add3A_100] : memref<512xf32, #tpu.memory_space<hbm>> -> memref<16xf32, #tpu.memory_space<hbm>>
        tpu.enqueue_dma source(%arg8 : memref<16xf32, #tpu.memory_space<vmem>>) target(%dma_start3A_158 : memref<16xf32, #tpu.memory_space<hbm>>) target_semaphore(%run_scoped3A : memref<!tpu.dma_semaphore, #tpu.memory_space<semaphore_mem>>)
        %dma_wait3A = tpu.memref_slice %arg3[%add3A_100] : memref<512xf32, #tpu.memory_space<hbm>> -> memref<16xf32, #tpu.memory_space<hbm>>
        %dma_wait3A_159 = tpu.memref_slice %arg3[%add3A_100] : memref<512xf32, #tpu.memory_space<hbm>> -> memref<16xf32, #tpu.memory_space<hbm>>
        tpu.wait_dma2 semaphore(%run_scoped3A : memref<!tpu.dma_semaphore, #tpu.memory_space<semaphore_mem>>) src(%arg8 : memref<16xf32, #tpu.memory_space<vmem>>) dst(%dma_wait3A_159 : memref<16xf32, #tpu.memory_space<hbm>>)
        tpu.yield
      }) : () -> ()
      %eq3A_101 = arith.constant 1.000000e+00 : f32
      %eq3A_102 = vector.broadcast %eq3A_101 : f32 to vector<16xf32>
      %eq3A_103 = arith.cmpf oeq, %select_n3A_35, %eq3A_102 : vector<16xf32>
      %jit3A_104 = arith.constant 0.000000e+00 : f32
      %broadcast_in_dim3A_105 = vector.broadcast %jit3A_104 : f32 to vector<16xf32>
      %select_n3A_106 = arith.select %eq3A_103, %div3A_81, %broadcast_in_dim3A_105 : vector<16xi1>, vector<16xf32>
      %eq3A_107 = arith.constant 1.000000e+00 : f32
      %eq3A_108 = vector.broadcast %eq3A_107 : f32 to vector<16xf32>
      %eq3A_109 = arith.cmpf oeq, %select_n3A_76, %eq3A_108 : vector<16xf32>
      %jit3A_110 = arith.constant 0.000000e+00 : f32
      %broadcast_in_dim3A_111 = vector.broadcast %jit3A_110 : f32 to vector<16xf32>
      %select_n3A_112 = arith.select %eq3A_109, %div3A_82, %broadcast_in_dim3A_111 : vector<16xi1>, vector<16xf32>
      %add3A_113 = arith.addf %select_n3A_106, %select_n3A_112 : vector<16xf32>
      %swap3A_114 = arith.constant 0 : index
      %swap3A_115 = tpu.vector_load %arg9[%swap3A_114] {strides = array<i32>} : memref<16xf32, #tpu.memory_space<vmem>>, vector<16xf32>,
      %swap3A_116 = vector.shape_cast %swap3A_115 : vector<16xf32> to vector<16xf32>
      %swap3A_117 = vector.shape_cast %add3A_113 : vector<16xf32> to vector<16xf32>
      tpu.vector_store %arg9[%swap3A_114], %swap3A_117 {strides = array<i32>} : memref<16xf32, #tpu.memory_space<vmem>>, vector<16xf32>,
      %add3A_118 = arith.constant 128 : i32
      %add3A_119 = arith.addi %add3A_118, %mul3A_4 : i32
      "tpu.region"() ({
        %run_scoped3A = tpu.sem_alloc : memref<!tpu.dma_semaphore, #tpu.memory_space<semaphore_mem>>
        %dma_start3A = tpu.memref_slice %arg3[%add3A_119] : memref<512xf32, #tpu.memory_space<hbm>> -> memref<16xf32, #tpu.memory_space<hbm>>
        %dma_start3A_158 = tpu.memref_slice %arg3[%add3A_119] : memref<512xf32, #tpu.memory_space<hbm>> -> memref<16xf32, #tpu.memory_space<hbm>>
        tpu.enqueue_dma source(%arg9 : memref<16xf32, #tpu.memory_space<vmem>>) target(%dma_start3A_158 : memref<16xf32, #tpu.memory_space<hbm>>) target_semaphore(%run_scoped3A : memref<!tpu.dma_semaphore, #tpu.memory_space<semaphore_mem>>)
        %dma_wait3A = tpu.memref_slice %arg3[%add3A_119] : memref<512xf32, #tpu.memory_space<hbm>> -> memref<16xf32, #tpu.memory_space<hbm>>
        %dma_wait3A_159 = tpu.memref_slice %arg3[%add3A_119] : memref<512xf32, #tpu.memory_space<hbm>> -> memref<16xf32, #tpu.memory_space<hbm>>
        tpu.wait_dma2 semaphore(%run_scoped3A : memref<!tpu.dma_semaphore, #tpu.memory_space<semaphore_mem>>) src(%arg9 : memref<16xf32, #tpu.memory_space<vmem>>) dst(%dma_wait3A_159 : memref<16xf32, #tpu.memory_space<hbm>>)
        tpu.yield
      }) : () -> ()
      %eq3A_120 = arith.constant 2.000000e+00 : f32
      %eq3A_121 = vector.broadcast %eq3A_120 : f32 to vector<16xf32>
      %eq3A_122 = arith.cmpf oeq, %select_n3A_35, %eq3A_121 : vector<16xf32>
      %jit3A_123 = arith.constant 0.000000e+00 : f32
      %broadcast_in_dim3A_124 = vector.broadcast %jit3A_123 : f32 to vector<16xf32>
      %select_n3A_125 = arith.select %eq3A_122, %div3A_81, %broadcast_in_dim3A_124 : vector<16xi1>, vector<16xf32>
      %eq3A_126 = arith.constant 2.000000e+00 : f32
      %eq3A_127 = vector.broadcast %eq3A_126 : f32 to vector<16xf32>
      %eq3A_128 = arith.cmpf oeq, %select_n3A_76, %eq3A_127 : vector<16xf32>
      %jit3A_129 = arith.constant 0.000000e+00 : f32
      %broadcast_in_dim3A_130 = vector.broadcast %jit3A_129 : f32 to vector<16xf32>
      %select_n3A_131 = arith.select %eq3A_128, %div3A_82, %broadcast_in_dim3A_130 : vector<16xi1>, vector<16xf32>
      %add3A_132 = arith.addf %select_n3A_125, %select_n3A_131 : vector<16xf32>
      %swap3A_133 = arith.constant 0 : index
      %swap3A_134 = tpu.vector_load %arg10[%swap3A_133] {strides = array<i32>} : memref<16xf32, #tpu.memory_space<vmem>>, vector<16xf32>,
      %swap3A_135 = vector.shape_cast %swap3A_134 : vector<16xf32> to vector<16xf32>
      %swap3A_136 = vector.shape_cast %add3A_132 : vector<16xf32> to vector<16xf32>
      tpu.vector_store %arg10[%swap3A_133], %swap3A_136 {strides = array<i32>} : memref<16xf32, #tpu.memory_space<vmem>>, vector<16xf32>,
      %add3A_137 = arith.constant 256 : i32
      %add3A_138 = arith.addi %add3A_137, %mul3A_4 : i32
      "tpu.region"() ({
        %run_scoped3A = tpu.sem_alloc : memref<!tpu.dma_semaphore, #tpu.memory_space<semaphore_mem>>
        %dma_start3A = tpu.memref_slice %arg3[%add3A_138] : memref<512xf32, #tpu.memory_space<hbm>> -> memref<16xf32, #tpu.memory_space<hbm>>
        %dma_start3A_158 = tpu.memref_slice %arg3[%add3A_138] : memref<512xf32, #tpu.memory_space<hbm>> -> memref<16xf32, #tpu.memory_space<hbm>>
        tpu.enqueue_dma source(%arg10 : memref<16xf32, #tpu.memory_space<vmem>>) target(%dma_start3A_158 : memref<16xf32, #tpu.memory_space<hbm>>) target_semaphore(%run_scoped3A : memref<!tpu.dma_semaphore, #tpu.memory_space<semaphore_mem>>)
        %dma_wait3A = tpu.memref_slice %arg3[%add3A_138] : memref<512xf32, #tpu.memory_space<hbm>> -> memref<16xf32, #tpu.memory_space<hbm>>
        %dma_wait3A_159 = tpu.memref_slice %arg3[%add3A_138] : memref<512xf32, #tpu.memory_space<hbm>> -> memref<16xf32, #tpu.memory_space<hbm>>
        tpu.wait_dma2 semaphore(%run_scoped3A : memref<!tpu.dma_semaphore, #tpu.memory_space<semaphore_mem>>) src(%arg10 : memref<16xf32, #tpu.memory_space<vmem>>) dst(%dma_wait3A_159 : memref<16xf32, #tpu.memory_space<hbm>>)
        tpu.yield
      }) : () -> ()
      %eq3A_139 = arith.constant 3.000000e+00 : f32
      %eq3A_140 = vector.broadcast %eq3A_139 : f32 to vector<16xf32>
      %eq3A_141 = arith.cmpf oeq, %select_n3A_35, %eq3A_140 : vector<16xf32>
      %jit3A_142 = arith.constant 0.000000e+00 : f32
      %broadcast_in_dim3A_143 = vector.broadcast %jit3A_142 : f32 to vector<16xf32>
      %select_n3A_144 = arith.select %eq3A_141, %div3A_81, %broadcast_in_dim3A_143 : vector<16xi1>, vector<16xf32>
      %eq3A_145 = arith.constant 3.000000e+00 : f32
      %eq3A_146 = vector.broadcast %eq3A_145 : f32 to vector<16xf32>
      %eq3A_147 = arith.cmpf oeq, %select_n3A_76, %eq3A_146 : vector<16xf32>
      %jit3A_148 = arith.constant 0.000000e+00 : f32
      %broadcast_in_dim3A_149 = vector.broadcast %jit3A_148 : f32 to vector<16xf32>
      %select_n3A_150 = arith.select %eq3A_147, %div3A_82, %broadcast_in_dim3A_149 : vector<16xi1>, vector<16xf32>
      %add3A_151 = arith.addf %select_n3A_144, %select_n3A_150 : vector<16xf32>
      %swap3A_152 = arith.constant 0 : index
      %swap3A_153 = tpu.vector_load %arg11[%swap3A_152] {strides = array<i32>} : memref<16xf32, #tpu.memory_space<vmem>>, vector<16xf32>,
      %swap3A_154 = vector.shape_cast %swap3A_153 : vector<16xf32> to vector<16xf32>
      %swap3A_155 = vector.shape_cast %add3A_151 : vector<16xf32> to vector<16xf32>
      tpu.vector_store %arg11[%swap3A_152], %swap3A_155 {strides = array<i32>} : memref<16xf32, #tpu.memory_space<vmem>>, vector<16xf32>,
      %add3A_156 = arith.constant 384 : i32
      %add3A_157 = arith.addi %add3A_156, %mul3A_4 : i32
      "tpu.region"() ({
        %run_scoped3A = tpu.sem_alloc : memref<!tpu.dma_semaphore, #tpu.memory_space<semaphore_mem>>
        %dma_start3A = tpu.memref_slice %arg3[%add3A_157] : memref<512xf32, #tpu.memory_space<hbm>> -> memref<16xf32, #tpu.memory_space<hbm>>
        %dma_start3A_158 = tpu.memref_slice %arg3[%add3A_157] : memref<512xf32, #tpu.memory_space<hbm>> -> memref<16xf32, #tpu.memory_space<hbm>>
        tpu.enqueue_dma source(%arg11 : memref<16xf32, #tpu.memory_space<vmem>>) target(%dma_start3A_158 : memref<16xf32, #tpu.memory_space<hbm>>) target_semaphore(%run_scoped3A : memref<!tpu.dma_semaphore, #tpu.memory_space<semaphore_mem>>)
        %dma_wait3A = tpu.memref_slice %arg3[%add3A_157] : memref<512xf32, #tpu.memory_space<hbm>> -> memref<16xf32, #tpu.memory_space<hbm>>
        %dma_wait3A_159 = tpu.memref_slice %arg3[%add3A_157] : memref<512xf32, #tpu.memory_space<hbm>> -> memref<16xf32, #tpu.memory_space<hbm>>
        tpu.wait_dma2 semaphore(%run_scoped3A : memref<!tpu.dma_semaphore, #tpu.memory_space<semaphore_mem>>) src(%arg11 : memref<16xf32, #tpu.memory_space<vmem>>) dst(%dma_wait3A_159 : memref<16xf32, #tpu.memory_space<hbm>>)
        tpu.yield
      }) : () -> ()
    } else {
    }
    return
  }
}

module attributes {stable_mosaic.version = 14 : i64} {
  func.func @_combine_kernel(%arg0: memref<128x1024xf32, #tpu.memory_space<vmem>>, %arg1: memref<4x128x1024xf32, #tpu.memory_space<vmem>>, %arg2: memref<4x128xf32, #tpu.memory_space<vmem>>, %arg3: memref<128x1024xf32, #tpu.memory_space<vmem>>) attributes {dimension_semantics = [], scalar_prefetch = 0 : i64, scratch_operands = 0 : i64, tpu.core_type = #tpu.core_type<tc>} {
    %iota3A = tpu.iota {dimensions = array<i32: 0>} : vector<128x128xi32>
    %iota3A_0 = tpu.iota {dimensions = array<i32: 1>} : vector<128x128xi32>
    %eq3A = arith.cmpi eq, %iota3A, %iota3A_0 : vector<128x128xi32>
    %convert_element_type3A = arith.extui %eq3A : vector<128x128xi1> to vector<128x128xi32>
    %convert_element_type3A_1 = arith.sitofp %convert_element_type3A : vector<128x128xi32> to vector<128x128xf32>
    %get3A = arith.constant 0 : index
    %get3A_2 = arith.constant 0 : index
    %get3A_3 = vector.load %arg2[%get3A, %get3A_2] : memref<4x128xf32, #tpu.memory_space<vmem>>, vector<4x128xf32>
    %dot_general3A = arith.constant dense<0.000000e+00> : vector<128x4xf32>
    %dot_general3A_4 = tpu.matmul %convert_element_type3A_1, %get3A_3, %dot_general3A {dimension_numbers = #tpu.dot_dimension_numbers<[1], [1], [0], [0], [0, 0, 1, 0], [], []>, precision = #tpu.contract_precision<fp32>, transpose_lhs_hint = false} : vector<128x128xf32>, vector<4x128xf32>, vector<128x4xf32> -> vector<128x4xf32>
    %get3A_5 = arith.constant 0 : index
    %get3A_6 = arith.constant 0 : index
    %get3A_7 = vector.load %arg0[%get3A_5, %get3A_6] : memref<128x1024xf32, #tpu.memory_space<vmem>>, vector<128x1024xf32>
    %get3A_8 = arith.constant 0 : index
    %get3A_9 = arith.constant 0 : index
    %get3A_10 = arith.constant 0 : index
    %get3A_11 = vector.load %arg1[%get3A_8, %get3A_9, %get3A_10] : memref<4x128x1024xf32, #tpu.memory_space<vmem>>, vector<1x128x1024xf32>
    %get3A_12 = vector.shape_cast %get3A_11 : vector<1x128x1024xf32> to vector<128x1024xf32>
    %slice3A = vector.extract_strided_slice %dot_general3A_4 {offsets = [0, 0], sizes = [128, 1], strides = [1, 1]} : vector<128x4xf32> to vector<128x1xf32>
    %squeeze3A = vector.shape_cast %slice3A : vector<128x1xf32> to vector<128xf32>
    %broadcast_in_dim3A = vector.shape_cast %squeeze3A : vector<128xf32> to vector<128x1xf32>
    %mul3A = vector.broadcast %broadcast_in_dim3A : vector<128x1xf32> to vector<128x1024xf32>
    %mul3A_13 = arith.mulf %get3A_12, %mul3A : vector<128x1024xf32>
    %add3A = arith.addf %get3A_7, %mul3A_13 : vector<128x1024xf32>
    %get3A_14 = arith.constant 1 : index
    %get3A_15 = arith.constant 0 : index
    %get3A_16 = arith.constant 0 : index
    %get3A_17 = vector.load %arg1[%get3A_14, %get3A_15, %get3A_16] : memref<4x128x1024xf32, #tpu.memory_space<vmem>>, vector<1x128x1024xf32>
    %get3A_18 = vector.shape_cast %get3A_17 : vector<1x128x1024xf32> to vector<128x1024xf32>
    %slice3A_19 = vector.extract_strided_slice %dot_general3A_4 {offsets = [0, 1], sizes = [128, 1], strides = [1, 1]} : vector<128x4xf32> to vector<128x1xf32>
    %squeeze3A_20 = vector.shape_cast %slice3A_19 : vector<128x1xf32> to vector<128xf32>
    %broadcast_in_dim3A_21 = vector.shape_cast %squeeze3A_20 : vector<128xf32> to vector<128x1xf32>
    %mul3A_22 = vector.broadcast %broadcast_in_dim3A_21 : vector<128x1xf32> to vector<128x1024xf32>
    %mul3A_23 = arith.mulf %get3A_18, %mul3A_22 : vector<128x1024xf32>
    %add3A_24 = arith.addf %add3A, %mul3A_23 : vector<128x1024xf32>
    %get3A_25 = arith.constant 2 : index
    %get3A_26 = arith.constant 0 : index
    %get3A_27 = arith.constant 0 : index
    %get3A_28 = vector.load %arg1[%get3A_25, %get3A_26, %get3A_27] : memref<4x128x1024xf32, #tpu.memory_space<vmem>>, vector<1x128x1024xf32>
    %get3A_29 = vector.shape_cast %get3A_28 : vector<1x128x1024xf32> to vector<128x1024xf32>
    %slice3A_30 = vector.extract_strided_slice %dot_general3A_4 {offsets = [0, 2], sizes = [128, 1], strides = [1, 1]} : vector<128x4xf32> to vector<128x1xf32>
    %squeeze3A_31 = vector.shape_cast %slice3A_30 : vector<128x1xf32> to vector<128xf32>
    %broadcast_in_dim3A_32 = vector.shape_cast %squeeze3A_31 : vector<128xf32> to vector<128x1xf32>
    %mul3A_33 = vector.broadcast %broadcast_in_dim3A_32 : vector<128x1xf32> to vector<128x1024xf32>
    %mul3A_34 = arith.mulf %get3A_29, %mul3A_33 : vector<128x1024xf32>
    %add3A_35 = arith.addf %add3A_24, %mul3A_34 : vector<128x1024xf32>
    %get3A_36 = arith.constant 3 : index
    %get3A_37 = arith.constant 0 : index
    %get3A_38 = arith.constant 0 : index
    %get3A_39 = vector.load %arg1[%get3A_36, %get3A_37, %get3A_38] : memref<4x128x1024xf32, #tpu.memory_space<vmem>>, vector<1x128x1024xf32>
    %get3A_40 = vector.shape_cast %get3A_39 : vector<1x128x1024xf32> to vector<128x1024xf32>
    %slice3A_41 = vector.extract_strided_slice %dot_general3A_4 {offsets = [0, 3], sizes = [128, 1], strides = [1, 1]} : vector<128x4xf32> to vector<128x1xf32>
    %squeeze3A_42 = vector.shape_cast %slice3A_41 : vector<128x1xf32> to vector<128xf32>
    %broadcast_in_dim3A_43 = vector.shape_cast %squeeze3A_42 : vector<128xf32> to vector<128x1xf32>
    %mul3A_44 = vector.broadcast %broadcast_in_dim3A_43 : vector<128x1xf32> to vector<128x1024xf32>
    %mul3A_45 = arith.mulf %get3A_40, %mul3A_44 : vector<128x1024xf32>
    %add3A_46 = arith.addf %add3A_35, %mul3A_45 : vector<128x1024xf32>
    %swap3A = arith.constant 0 : index
    %swap3A_47 = arith.constant 0 : index
    %swap3A_48 = vector.load %arg3[%swap3A, %swap3A_47] : memref<128x1024xf32, #tpu.memory_space<vmem>>, vector<128x1024xf32>
    tpu.vector_store %arg3[%swap3A, %swap3A_47], %add3A_46 {strides = array<i32>} : memref<128x1024xf32, #tpu.memory_space<vmem>>, vector<128x1024xf32>,
    return
  }
}

module attributes {stable_mosaic.version = 14 : i64} {
  func.func @_moe_kernel(%arg0: i32, %arg1: memref<128x1024xbf16, #tpu.memory_space<vmem>>, %arg2: memref<1x1024x1024xf32, #tpu.memory_space<vmem>>, %arg3: memref<1x1024x1024xf32, #tpu.memory_space<vmem>>, %arg4: memref<1x1024x1024xf32, #tpu.memory_space<vmem>>, %arg5: memref<1x128x1024xf32, #tpu.memory_space<vmem>>) attributes {dimension_semantics = [#tpu.dimension_semantics<arbitrary>], iteration_bounds = array<i64: 16>, scalar_prefetch = 0 : i64, scratch_operands = 0 : i64, tpu.core_type = #tpu.core_type<tc>, window_params = [{pipeline_mode = #tpu.pipeline_mode<synchronous>, transform_indices = @transform_0, window_bounds = array<i64: 128, 1024>}, {transform_indices = @transform_1, window_bounds = array<i64: 1, 1024, 1024>}, {transform_indices = @transform_2, window_bounds = array<i64: 1, 1024, 1024>}, {transform_indices = @transform_3, window_bounds = array<i64: 1, 1024, 1024>}, {transform_indices = @transform_4, window_bounds = array<i64: 1, 128, 1024>}]} {
    %jit3A = arith.constant 4 : i32
    %eq3A = arith.constant 0 : i32
    %eq3A_0 = arith.cmpi eq, %jit3A, %eq3A : i32
    %jit3A_1 = arith.constant 1 : i32
    %select_n3A = arith.select %eq3A_0, %jit3A_1, %jit3A : i32
    %rem3A = arith.remsi %arg0, %select_n3A : i32
    %ne3A = arith.constant 0 : i32
    %ne3A_2 = arith.cmpi ne, %rem3A, %ne3A : i32
    %lt3A = arith.constant 0 : i32
    %lt3A_3 = arith.cmpi slt, %rem3A, %lt3A : i32
    %lt3A_4 = arith.constant 0 : i32
    %lt3A_5 = arith.cmpi slt, %select_n3A, %lt3A_4 : i32
    %ne3A_6 = arith.xori %lt3A_3, %lt3A_5 : i1
    %and3A = arith.andi %ne3A_6, %ne3A_2 : i1
    %add3A = arith.addi %rem3A, %select_n3A : i32
    %select_n3A_7 = arith.select %and3A, %add3A, %rem3A : i32
    %eq3A_8 = arith.constant 0 : i32
    %eq3A_9 = arith.cmpi eq, %select_n3A_7, %eq3A_8 : i32
    %convert_element_type3A = arith.extui %eq3A_9 : i1 to i32
    %cond3A = arith.constant 0 : i32
    %cond3A_10 = arith.cmpi ne, %convert_element_type3A, %cond3A : i32
    scf.if %cond3A_10 {
      %broadcast_in_dim3A = arith.constant 0.000000e+00 : f32
      %broadcast_in_dim3A_54 = vector.broadcast %broadcast_in_dim3A : f32 to vector<1x128x1024xf32>
      %swap3A_55 = arith.constant 0 : index
      %swap3A_56 = arith.constant 0 : index
      %swap3A_57 = arith.constant 0 : index
      %swap3A_58 = vector.load %arg5[%swap3A_55, %swap3A_56, %swap3A_57] : memref<1x128x1024xf32, #tpu.memory_space<vmem>>, vector<1x128x1024xf32>
      tpu.vector_store %arg5[%swap3A_55, %swap3A_56, %swap3A_57], %broadcast_in_dim3A_54 {strides = array<i32>} : memref<1x128x1024xf32, #tpu.memory_space<vmem>>, vector<1x128x1024xf32>,
    } else {
    }
    %get3A = arith.constant 0 : index
    %get3A_11 = arith.constant 0 : index
    %get3A_12 = vector.load %arg1[%get3A, %get3A_11] : memref<128x1024xbf16, #tpu.memory_space<vmem>>, vector<128x1024xbf16>
    %get3A_13 = arith.constant 0 : index
    %get3A_14 = arith.constant 0 : index
    %get3A_15 = arith.constant 0 : index
    %get3A_16 = vector.load %arg2[%get3A_13, %get3A_14, %get3A_15] : memref<1x1024x1024xf32, #tpu.memory_space<vmem>>, vector<1x1024x1024xf32>
    %get3A_17 = vector.shape_cast %get3A_16 : vector<1x1024x1024xf32> to vector<1024x1024xf32>
    %convert_element_type3A_18 = arith.truncf %get3A_17 : vector<1024x1024xf32> to vector<1024x1024xbf16>
    %dot_general3A = arith.constant dense<0.000000e+00> : vector<128x1024xf32>
    %dot_general3A_19 = tpu.matmul %get3A_12, %convert_element_type3A_18, %dot_general3A {dimension_numbers = #tpu.dot_dimension_numbers<[1], [1], [0], [0], [0, 0, 1, 0], [], []>, transpose_lhs_hint = false} : vector<128x1024xbf16>, vector<1024x1024xbf16>, vector<128x1024xf32> -> vector<128x1024xf32>
    %get3A_20 = arith.constant 0 : index
    %get3A_21 = arith.constant 0 : index
    %get3A_22 = arith.constant 0 : index
    %get3A_23 = vector.load %arg3[%get3A_20, %get3A_21, %get3A_22] : memref<1x1024x1024xf32, #tpu.memory_space<vmem>>, vector<1x1024x1024xf32>
    %get3A_24 = vector.shape_cast %get3A_23 : vector<1x1024x1024xf32> to vector<1024x1024xf32>
    %convert_element_type3A_25 = arith.truncf %get3A_24 : vector<1024x1024xf32> to vector<1024x1024xbf16>
    %dot_general3A_26 = arith.constant dense<0.000000e+00> : vector<128x1024xf32>
    %dot_general3A_27 = tpu.matmul %get3A_12, %convert_element_type3A_25, %dot_general3A_26 {dimension_numbers = #tpu.dot_dimension_numbers<[1], [1], [0], [0], [0, 0, 1, 0], [], []>, transpose_lhs_hint = false} : vector<128x1024xbf16>, vector<1024x1024xbf16>, vector<128x1024xf32> -> vector<128x1024xf32>
    %logistic3A = arith.negf %dot_general3A_19 : vector<128x1024xf32>
    %logistic3A_28 = math.exp %logistic3A : vector<128x1024xf32>
    %logistic3A_29 = arith.constant 1.000000e+00 : f32
    %logistic3A_30 = vector.broadcast %logistic3A_29 : f32 to vector<128x1024xf32>
    %logistic3A_31 = arith.addf %logistic3A_30, %logistic3A_28 : vector<128x1024xf32>
    %logistic3A_32 = arith.divf %logistic3A_30, %logistic3A_31 : vector<128x1024xf32>
    %mul3A = arith.mulf %dot_general3A_19, %logistic3A_32 : vector<128x1024xf32>
    %mul3A_33 = arith.mulf %mul3A, %dot_general3A_27 : vector<128x1024xf32>
    %get3A_34 = arith.constant 0 : index
    %get3A_35 = arith.constant 0 : index
    %get3A_36 = arith.constant 0 : index
    %get3A_37 = vector.load %arg5[%get3A_34, %get3A_35, %get3A_36] : memref<1x128x1024xf32, #tpu.memory_space<vmem>>, vector<1x128x1024xf32>
    %get3A_38 = vector.shape_cast %get3A_37 : vector<1x128x1024xf32> to vector<128x1024xf32>
    %get3A_39 = arith.constant 0 : index
    %get3A_40 = arith.constant 0 : index
    %get3A_41 = arith.constant 0 : index
    %get3A_42 = vector.load %arg4[%get3A_39, %get3A_40, %get3A_41] : memref<1x1024x1024xf32, #tpu.memory_space<vmem>>, vector<1x1024x1024xf32>
    %get3A_43 = vector.shape_cast %get3A_42 : vector<1x1024x1024xf32> to vector<1024x1024xf32>
    %convert_element_type3A_44 = arith.truncf %mul3A_33 : vector<128x1024xf32> to vector<128x1024xbf16>
    %convert_element_type3A_45 = arith.truncf %get3A_43 : vector<1024x1024xf32> to vector<1024x1024xbf16>
    %dot_general3A_46 = arith.constant dense<0.000000e+00> : vector<128x1024xf32>
    %dot_general3A_47 = tpu.matmul %convert_element_type3A_44, %convert_element_type3A_45, %dot_general3A_46 {dimension_numbers = #tpu.dot_dimension_numbers<[1], [1], [0], [0], [0, 0, 1, 0], [], []>, transpose_lhs_hint = false} : vector<128x1024xbf16>, vector<1024x1024xbf16>, vector<128x1024xf32> -> vector<128x1024xf32>
    %add3A_48 = arith.addf %get3A_38, %dot_general3A_47 : vector<128x1024xf32>
    %swap3A = arith.constant 0 : index
    %swap3A_49 = arith.constant 0 : index
    %swap3A_50 = arith.constant 0 : index
    %swap3A_51 = vector.load %arg5[%swap3A, %swap3A_49, %swap3A_50] : memref<1x128x1024xf32, #tpu.memory_space<vmem>>, vector<1x128x1024xf32>
    %swap3A_52 = vector.shape_cast %swap3A_51 : vector<1x128x1024xf32> to vector<128x1024xf32>
    %swap3A_53 = vector.shape_cast %add3A_48 : vector<128x1024xf32> to vector<1x128x1024xf32>
    tpu.vector_store %arg5[%swap3A, %swap3A_49, %swap3A_50], %swap3A_53 {strides = array<i32>} : memref<1x128x1024xf32, #tpu.memory_space<vmem>>, vector<1x128x1024xf32>,
    return
  }
  func.func @transform_0(%arg0: i32) -> (i32, i32) {
    %c0_i32 = arith.constant 0 : i32
    %c0_i32_0 = arith.constant 0 : i32
    %c0_i32_1 = arith.constant 0 : i32
    return %c0_i32, %c0_i32_0 : i32, i32
  }
  func.func @transform_1(%arg0: i32) -> (i32, i32, i32) {
    %jit3A = arith.constant 4 : i32
    %div3A = arith.divsi %arg0, %jit3A : i32
    %sign3A = arith.constant 0 : i32
    %sign3A_0 = arith.cmpi sgt, %arg0, %sign3A : i32
    %sign3A_1 = arith.extui %sign3A_0 : i1 to i32
    %sign3A_2 = arith.constant 0 : i32
    %sign3A_3 = arith.cmpi slt, %arg0, %sign3A_2 : i32
    %sign3A_4 = arith.extui %sign3A_3 : i1 to i32
    %sign3A_5 = arith.subi %sign3A_1, %sign3A_4 : i32
    %sign3A_6 = arith.constant 0 : i32
    %sign3A_7 = arith.cmpi sgt, %jit3A, %sign3A_6 : i32
    %sign3A_8 = arith.extui %sign3A_7 : i1 to i32
    %sign3A_9 = arith.constant 0 : i32
    %sign3A_10 = arith.cmpi slt, %jit3A, %sign3A_9 : i32
    %sign3A_11 = arith.extui %sign3A_10 : i1 to i32
    %sign3A_12 = arith.subi %sign3A_8, %sign3A_11 : i32
    %ne3A = arith.cmpi ne, %sign3A_5, %sign3A_12 : i32
    %rem3A = arith.remsi %arg0, %jit3A : i32
    %ne3A_13 = arith.constant 0 : i32
    %ne3A_14 = arith.cmpi ne, %rem3A, %ne3A_13 : i32
    %and3A = arith.andi %ne3A, %ne3A_14 : i1
    %sub3A = arith.constant 1 : i32
    %sub3A_15 = arith.subi %div3A, %sub3A : i32
    %select_n3A = arith.select %and3A, %sub3A_15, %div3A : i32
    %jit3A_16 = arith.constant 4 : i32
    %eq3A = arith.constant 0 : i32
    %eq3A_17 = arith.cmpi eq, %jit3A_16, %eq3A : i32
    %jit3A_18 = arith.constant 1 : i32
    %select_n3A_19 = arith.select %eq3A_17, %jit3A_18, %jit3A_16 : i32
    %rem3A_20 = arith.remsi %arg0, %select_n3A_19 : i32
    %ne3A_21 = arith.constant 0 : i32
    %ne3A_22 = arith.cmpi ne, %rem3A_20, %ne3A_21 : i32
    %lt3A = arith.constant 0 : i32
    %lt3A_23 = arith.cmpi slt, %rem3A_20, %lt3A : i32
    %lt3A_24 = arith.constant 0 : i32
    %lt3A_25 = arith.cmpi slt, %select_n3A_19, %lt3A_24 : i32
    %ne3A_26 = arith.xori %lt3A_23, %lt3A_25 : i1
    %and3A_27 = arith.andi %ne3A_26, %ne3A_22 : i1
    %add3A = arith.addi %rem3A_20, %select_n3A_19 : i32
    %select_n3A_28 = arith.select %and3A_27, %add3A, %rem3A_20 : i32
    %c0_i32 = arith.constant 0 : i32
    %c0_i32_29 = arith.constant 0 : i32
    return %select_n3A, %select_n3A_28, %c0_i32 : i32, i32, i32
  }
  func.func @transform_2(%arg0: i32) -> (i32, i32, i32) {
    %jit3A = arith.constant 4 : i32
    %div3A = arith.divsi %arg0, %jit3A : i32
    %sign3A = arith.constant 0 : i32
    %sign3A_0 = arith.cmpi sgt, %arg0, %sign3A : i32
    %sign3A_1 = arith.extui %sign3A_0 : i1 to i32
    %sign3A_2 = arith.constant 0 : i32
    %sign3A_3 = arith.cmpi slt, %arg0, %sign3A_2 : i32
    %sign3A_4 = arith.extui %sign3A_3 : i1 to i32
    %sign3A_5 = arith.subi %sign3A_1, %sign3A_4 : i32
    %sign3A_6 = arith.constant 0 : i32
    %sign3A_7 = arith.cmpi sgt, %jit3A, %sign3A_6 : i32
    %sign3A_8 = arith.extui %sign3A_7 : i1 to i32
    %sign3A_9 = arith.constant 0 : i32
    %sign3A_10 = arith.cmpi slt, %jit3A, %sign3A_9 : i32
    %sign3A_11 = arith.extui %sign3A_10 : i1 to i32
    %sign3A_12 = arith.subi %sign3A_8, %sign3A_11 : i32
    %ne3A = arith.cmpi ne, %sign3A_5, %sign3A_12 : i32
    %rem3A = arith.remsi %arg0, %jit3A : i32
    %ne3A_13 = arith.constant 0 : i32
    %ne3A_14 = arith.cmpi ne, %rem3A, %ne3A_13 : i32
    %and3A = arith.andi %ne3A, %ne3A_14 : i1
    %sub3A = arith.constant 1 : i32
    %sub3A_15 = arith.subi %div3A, %sub3A : i32
    %select_n3A = arith.select %and3A, %sub3A_15, %div3A : i32
    %jit3A_16 = arith.constant 4 : i32
    %eq3A = arith.constant 0 : i32
    %eq3A_17 = arith.cmpi eq, %jit3A_16, %eq3A : i32
    %jit3A_18 = arith.constant 1 : i32
    %select_n3A_19 = arith.select %eq3A_17, %jit3A_18, %jit3A_16 : i32
    %rem3A_20 = arith.remsi %arg0, %select_n3A_19 : i32
    %ne3A_21 = arith.constant 0 : i32
    %ne3A_22 = arith.cmpi ne, %rem3A_20, %ne3A_21 : i32
    %lt3A = arith.constant 0 : i32
    %lt3A_23 = arith.cmpi slt, %rem3A_20, %lt3A : i32
    %lt3A_24 = arith.constant 0 : i32
    %lt3A_25 = arith.cmpi slt, %select_n3A_19, %lt3A_24 : i32
    %ne3A_26 = arith.xori %lt3A_23, %lt3A_25 : i1
    %and3A_27 = arith.andi %ne3A_26, %ne3A_22 : i1
    %add3A = arith.addi %rem3A_20, %select_n3A_19 : i32
    %select_n3A_28 = arith.select %and3A_27, %add3A, %rem3A_20 : i32
    %c0_i32 = arith.constant 0 : i32
    %c0_i32_29 = arith.constant 0 : i32
    return %select_n3A, %select_n3A_28, %c0_i32 : i32, i32, i32
  }
  func.func @transform_3(%arg0: i32) -> (i32, i32, i32) {
    %jit3A = arith.constant 4 : i32
    %div3A = arith.divsi %arg0, %jit3A : i32
    %sign3A = arith.constant 0 : i32
    %sign3A_0 = arith.cmpi sgt, %arg0, %sign3A : i32
    %sign3A_1 = arith.extui %sign3A_0 : i1 to i32
    %sign3A_2 = arith.constant 0 : i32
    %sign3A_3 = arith.cmpi slt, %arg0, %sign3A_2 : i32
    %sign3A_4 = arith.extui %sign3A_3 : i1 to i32
    %sign3A_5 = arith.subi %sign3A_1, %sign3A_4 : i32
    %sign3A_6 = arith.constant 0 : i32
    %sign3A_7 = arith.cmpi sgt, %jit3A, %sign3A_6 : i32
    %sign3A_8 = arith.extui %sign3A_7 : i1 to i32
    %sign3A_9 = arith.constant 0 : i32
    %sign3A_10 = arith.cmpi slt, %jit3A, %sign3A_9 : i32
    %sign3A_11 = arith.extui %sign3A_10 : i1 to i32
    %sign3A_12 = arith.subi %sign3A_8, %sign3A_11 : i32
    %ne3A = arith.cmpi ne, %sign3A_5, %sign3A_12 : i32
    %rem3A = arith.remsi %arg0, %jit3A : i32
    %ne3A_13 = arith.constant 0 : i32
    %ne3A_14 = arith.cmpi ne, %rem3A, %ne3A_13 : i32
    %and3A = arith.andi %ne3A, %ne3A_14 : i1
    %sub3A = arith.constant 1 : i32
    %sub3A_15 = arith.subi %div3A, %sub3A : i32
    %select_n3A = arith.select %and3A, %sub3A_15, %div3A : i32
    %jit3A_16 = arith.constant 4 : i32
    %eq3A = arith.constant 0 : i32
    %eq3A_17 = arith.cmpi eq, %jit3A_16, %eq3A : i32
    %jit3A_18 = arith.constant 1 : i32
    %select_n3A_19 = arith.select %eq3A_17, %jit3A_18, %jit3A_16 : i32
    %rem3A_20 = arith.remsi %arg0, %select_n3A_19 : i32
    %ne3A_21 = arith.constant 0 : i32
    %ne3A_22 = arith.cmpi ne, %rem3A_20, %ne3A_21 : i32
    %lt3A = arith.constant 0 : i32
    %lt3A_23 = arith.cmpi slt, %rem3A_20, %lt3A : i32
    %lt3A_24 = arith.constant 0 : i32
    %lt3A_25 = arith.cmpi slt, %select_n3A_19, %lt3A_24 : i32
    %ne3A_26 = arith.xori %lt3A_23, %lt3A_25 : i1
    %and3A_27 = arith.andi %ne3A_26, %ne3A_22 : i1
    %add3A = arith.addi %rem3A_20, %select_n3A_19 : i32
    %select_n3A_28 = arith.select %and3A_27, %add3A, %rem3A_20 : i32
    %c0_i32 = arith.constant 0 : i32
    %c0_i32_29 = arith.constant 0 : i32
    return %select_n3A, %c0_i32, %select_n3A_28 : i32, i32, i32
  }
  func.func @transform_4(%arg0: i32) -> (i32, i32, i32) {
    %jit3A = arith.constant 4 : i32
    %div3A = arith.divsi %arg0, %jit3A : i32
    %sign3A = arith.constant 0 : i32
    %sign3A_0 = arith.cmpi sgt, %arg0, %sign3A : i32
    %sign3A_1 = arith.extui %sign3A_0 : i1 to i32
    %sign3A_2 = arith.constant 0 : i32
    %sign3A_3 = arith.cmpi slt, %arg0, %sign3A_2 : i32
    %sign3A_4 = arith.extui %sign3A_3 : i1 to i32
    %sign3A_5 = arith.subi %sign3A_1, %sign3A_4 : i32
    %sign3A_6 = arith.constant 0 : i32
    %sign3A_7 = arith.cmpi sgt, %jit3A, %sign3A_6 : i32
    %sign3A_8 = arith.extui %sign3A_7 : i1 to i32
    %sign3A_9 = arith.constant 0 : i32
    %sign3A_10 = arith.cmpi slt, %jit3A, %sign3A_9 : i32
    %sign3A_11 = arith.extui %sign3A_10 : i1 to i32
    %sign3A_12 = arith.subi %sign3A_8, %sign3A_11 : i32
    %ne3A = arith.cmpi ne, %sign3A_5, %sign3A_12 : i32
    %rem3A = arith.remsi %arg0, %jit3A : i32
    %ne3A_13 = arith.constant 0 : i32
    %ne3A_14 = arith.cmpi ne, %rem3A, %ne3A_13 : i32
    %and3A = arith.andi %ne3A, %ne3A_14 : i1
    %sub3A = arith.constant 1 : i32
    %sub3A_15 = arith.subi %div3A, %sub3A : i32
    %select_n3A = arith.select %and3A, %sub3A_15, %div3A : i32
    %c0_i32 = arith.constant 0 : i32
    %c0_i32_16 = arith.constant 0 : i32
    %c0_i32_17 = arith.constant 0 : i32
    return %select_n3A, %c0_i32, %c0_i32_16 : i32, i32, i32
  }
}

module attributes {stable_mosaic.version = 14 : i64} {
  func.func @_prologue_kernel(%arg0: memref<128x1024xf32, #tpu.memory_space<vmem>>, %arg1: memref<1x1024xf32, #tpu.memory_space<vmem>>, %arg2: memref<1x1024xf32, #tpu.memory_space<vmem>>, %arg3: memref<1024x1024xf32, #tpu.memory_space<vmem>>, %arg4: memref<1024x1024xf32, #tpu.memory_space<vmem>>, %arg5: memref<4x1024xf32, #tpu.memory_space<vmem>>, %arg6: memref<128x1024xf32, #tpu.memory_space<vmem>>, %arg7: memref<128x1024xbf16, #tpu.memory_space<vmem>>, %arg8: memref<4x128xf32, #tpu.memory_space<vmem>>) attributes {dimension_semantics = [], scalar_prefetch = 0 : i64, scratch_operands = 0 : i64, tpu.core_type = #tpu.core_type<tc>} {
    %get3A = arith.constant 0 : index
    %get3A_0 = arith.constant 0 : index
    %get3A_1 = vector.load %arg0[%get3A, %get3A_0] : memref<128x1024xf32, #tpu.memory_space<vmem>>, vector<128x1024xf32>
    %get3A_2 = arith.constant 0 : index
    %get3A_3 = arith.constant 0 : index
    %get3A_4 = vector.load %arg1[%get3A_2, %get3A_3] : memref<1x1024xf32, #tpu.memory_space<vmem>>, vector<1x1024xf32>
    %mul3A = vector.broadcast %get3A_4 : vector<1x1024xf32> to vector<128x1024xf32>
    %mul3A_5 = arith.mulf %mul3A, %get3A_1 : vector<128x1024xf32>
    %mul3A_6 = arith.mulf %get3A_1, %get3A_1 : vector<128x1024xf32>
    %reduce_sum3A = arith.constant dense<0.000000e+00> : vector<128xf32>
    %reduce_sum3A_7 = vector.multi_reduction <add>, %mul3A_6, %reduce_sum3A [1] : vector<128x1024xf32> to vector<128xf32>
    %broadcast_in_dim3A = vector.shape_cast %reduce_sum3A_7 : vector<128xf32> to vector<128x1xf32>
    %div3A = arith.constant 1.024000e+03 : f32
    %div3A_8 = vector.broadcast %div3A : f32 to vector<128x1xf32>
    %div3A_9 = arith.divf %broadcast_in_dim3A, %div3A_8 : vector<128x1xf32>
    %add3A = arith.constant 9.99999997E-7 : f32
    %add3A_10 = vector.broadcast %add3A : f32 to vector<128x1xf32>
    %add3A_11 = arith.addf %div3A_9, %add3A_10 : vector<128x1xf32>
    %rsqrt3A = math.rsqrt %add3A_11 : vector<128x1xf32>
    %mul3A_12 = vector.broadcast %rsqrt3A : vector<128x1xf32> to vector<128x1024xf32>
    %mul3A_13 = arith.mulf %mul3A_5, %mul3A_12 : vector<128x1024xf32>
    %get3A_14 = arith.constant 0 : index
    %get3A_15 = arith.constant 0 : index
    %get3A_16 = vector.load %arg3[%get3A_14, %get3A_15] : memref<1024x1024xf32, #tpu.memory_space<vmem>>, vector<1024x1024xf32>
    %convert_element_type3A = arith.truncf %mul3A_13 : vector<128x1024xf32> to vector<128x1024xbf16>
    %convert_element_type3A_17 = arith.truncf %get3A_16 : vector<1024x1024xf32> to vector<1024x1024xbf16>
    %dot_general3A = arith.constant dense<0.000000e+00> : vector<128x1024xf32>
    %dot_general3A_18 = tpu.matmul %convert_element_type3A, %convert_element_type3A_17, %dot_general3A {dimension_numbers = #tpu.dot_dimension_numbers<[1], [1], [0], [0], [0, 0, 1, 0], [], []>, transpose_lhs_hint = false} : vector<128x1024xbf16>, vector<1024x1024xbf16>, vector<128x1024xf32> -> vector<128x1024xf32>
    %get3A_19 = arith.constant 0 : index
    %get3A_20 = arith.constant 0 : index
    %get3A_21 = vector.load %arg4[%get3A_19, %get3A_20] : memref<1024x1024xf32, #tpu.memory_space<vmem>>, vector<1024x1024xf32>
    %convert_element_type3A_22 = arith.truncf %dot_general3A_18 : vector<128x1024xf32> to vector<128x1024xbf16>
    %convert_element_type3A_23 = arith.truncf %get3A_21 : vector<1024x1024xf32> to vector<1024x1024xbf16>
    %dot_general3A_24 = arith.constant dense<0.000000e+00> : vector<128x1024xf32>
    %dot_general3A_25 = tpu.matmul %convert_element_type3A_22, %convert_element_type3A_23, %dot_general3A_24 {dimension_numbers = #tpu.dot_dimension_numbers<[1], [1], [0], [0], [0, 0, 1, 0], [], []>, transpose_lhs_hint = false} : vector<128x1024xbf16>, vector<1024x1024xbf16>, vector<128x1024xf32> -> vector<128x1024xf32>
    %add3A_26 = arith.addf %get3A_1, %dot_general3A_25 : vector<128x1024xf32>
    %swap3A = arith.constant 0 : index
    %swap3A_27 = arith.constant 0 : index
    %swap3A_28 = vector.load %arg6[%swap3A, %swap3A_27] : memref<128x1024xf32, #tpu.memory_space<vmem>>, vector<128x1024xf32>
    tpu.vector_store %arg6[%swap3A, %swap3A_27], %add3A_26 {strides = array<i32>} : memref<128x1024xf32, #tpu.memory_space<vmem>>, vector<128x1024xf32>,
    %get3A_29 = arith.constant 0 : index
    %get3A_30 = arith.constant 0 : index
    %get3A_31 = vector.load %arg2[%get3A_29, %get3A_30] : memref<1x1024xf32, #tpu.memory_space<vmem>>, vector<1x1024xf32>
    %mul3A_32 = vector.broadcast %get3A_31 : vector<1x1024xf32> to vector<128x1024xf32>
    %mul3A_33 = arith.mulf %mul3A_32, %add3A_26 : vector<128x1024xf32>
    %mul3A_34 = arith.mulf %add3A_26, %add3A_26 : vector<128x1024xf32>
    %reduce_sum3A_35 = arith.constant dense<0.000000e+00> : vector<128xf32>
    %reduce_sum3A_36 = vector.multi_reduction <add>, %mul3A_34, %reduce_sum3A_35 [1] : vector<128x1024xf32> to vector<128xf32>
    %broadcast_in_dim3A_37 = vector.shape_cast %reduce_sum3A_36 : vector<128xf32> to vector<128x1xf32>
    %div3A_38 = arith.constant 1.024000e+03 : f32
    %div3A_39 = vector.broadcast %div3A_38 : f32 to vector<128x1xf32>
    %div3A_40 = arith.divf %broadcast_in_dim3A_37, %div3A_39 : vector<128x1xf32>
    %add3A_41 = arith.constant 9.99999997E-7 : f32
    %add3A_42 = vector.broadcast %add3A_41 : f32 to vector<128x1xf32>
    %add3A_43 = arith.addf %div3A_40, %add3A_42 : vector<128x1xf32>
    %rsqrt3A_44 = math.rsqrt %add3A_43 : vector<128x1xf32>
    %mul3A_45 = vector.broadcast %rsqrt3A_44 : vector<128x1xf32> to vector<128x1024xf32>
    %mul3A_46 = arith.mulf %mul3A_33, %mul3A_45 : vector<128x1024xf32>
    %convert_element_type3A_47 = arith.truncf %mul3A_46 : vector<128x1024xf32> to vector<128x1024xbf16>
    %swap3A_48 = arith.constant 0 : index
    %swap3A_49 = arith.constant 0 : index
    %swap3A_50 = vector.load %arg7[%swap3A_48, %swap3A_49] : memref<128x1024xbf16, #tpu.memory_space<vmem>>, vector<128x1024xbf16>
    tpu.vector_store %arg7[%swap3A_48, %swap3A_49], %convert_element_type3A_47 {strides = array<i32>} : memref<128x1024xbf16, #tpu.memory_space<vmem>>, vector<128x1024xbf16>,
    %get3A_51 = arith.constant 0 : index
    %get3A_52 = arith.constant 0 : index
    %get3A_53 = vector.load %arg5[%get3A_51, %get3A_52] : memref<4x1024xf32, #tpu.memory_space<vmem>>, vector<4x1024xf32>
    %dot_general3A_54 = arith.constant dense<0.000000e+00> : vector<4x128xf32>
    %dot_general3A_55 = tpu.matmul %get3A_53, %mul3A_46, %dot_general3A_54 {dimension_numbers = #tpu.dot_dimension_numbers<[1], [1], [0], [0], [0, 0, 1, 0], [], []>, precision = #tpu.contract_precision<fp32>, transpose_lhs_hint = false} : vector<4x1024xf32>, vector<128x1024xf32>, vector<4x128xf32> -> vector<4x128xf32>
    %swap3A_56 = arith.constant 0 : index
    %swap3A_57 = arith.constant 0 : index
    %swap3A_58 = vector.load %arg8[%swap3A_56, %swap3A_57] : memref<4x128xf32, #tpu.memory_space<vmem>>, vector<4x128xf32>
    tpu.vector_store %arg8[%swap3A_56, %swap3A_57], %dot_general3A_55 {strides = array<i32>} : memref<4x128xf32, #tpu.memory_space<vmem>>, vector<4x128xf32>,
    return
  }
}

</mosaic_0001>

<sc_bundles>
// kernel: kernel.6.cloned.1.call-start
scs
__scs_entry_jumppad:
0x0: {  	(pc) =	sbr.rel $0x88, $3  }
0x1: {  	(tag) =	ssettag $0x0;
	lr =	simm.s32 $0x1  }
0x2: {  	[smem:$0x3F98] =	sst lr;
	_ =	strace $0xD0000000  }
0x3: {  	_ = 	snop  }
0x4: {  	_ = 	snop  }
0x5: {  	_ = 	snop  }
0x6: {  	_ = 	snop  }
0x7: {  	_ = 	snop  }
__scs_overlays_trampoline_lowered:
0x8: {  	[smem:$0x3FA7] =	sst s0  }
0x9: {  	[smem:$0x3FA8] =	sst s1  }
0xa: {  	[smem:$0x3FA9] =	sst s2  }
0xb: {  	[smem:$0x3FAA] =	sst s3  }
0xc: {  	[smem:$0x3FAB] =	sst s4  }
0xd: {  	[smem:$0x3FAC] =	sst s5  }
0xe: {  	[smem:$0x3FAD] =	sst s6  }
0xf: {  	[smem:$0x3FAE] =	sst s7  }
0x10: {  	[smem:$0x3FAF] =	sst s8  }
0x11: {  	[smem:$0x3FB0] =	sst s9;
	s0 =	simm.s32 @!p0 $0x0  }
0x12: {  	s1 =	sld [smem:$0x3F96];
	s0 =	simm.s32 @p0 $0x1  }
0x13: {  	[smem:$0x3FB1] =	sst s0;
	s0 =	simm.s32 @!p1 $0x0  }
0x14: {  	s2 =	sld [smem:$0x3F95];
	s0 =	simm.s32 @p1 $0x1  }
0x15: {  	[smem:$0x3FB2] =	sst s0;
	s0 =	simm.s32 @!p2 $0x0  }
0x16: {  	s3 =	sld [smem:$0x3FDB];
	s0 =	simm.s32 @p2 $0x1  }
0x17: {  	s4 =	simm.s32 $0x1BF5;
	[smem:$0x3FB4] =	sst s0  }
0x18: {  	s0 =	sld [smem:$0x3F97];
	_ =	swait.ge [sflag:s4], $0x0  }
0x19: {  	s7 =	sld [smem:$0x3F98]  }
0x1a: {  	s8 =	sadd.s32 $0xFFFFE003, lr  }
0x1b: {  	s9 =	sadd.s32 $0xFFFFFEF7, lr;
	s5 =	simm.s32 $0xFFFFFFFF;
	p2 =	slt.u32 s8, $0xFFFFF086  }
0x1c: {  	p1 =	slt.u32 s9, $0xF7A;
	s5 =	simm.s32 @!p2 $0x0  }
0x1d: {  	s5 =	simm.s32 @p1 $0x1;
	p0 =	seq.s32 s7, s2  }
0x1e: {  	s7 =	smul.u32 @!p0 $0xF7A, s2;
	p2 =	seq.s32 @!p0 s5, $0x0  }
0x1f: {  	s9 =	smul.u32 $0xF7A, s1;
	s8 =	simm.s32 @!p0 $0x1BF5;
	p2 =	por !p2, p0  }
0x20: {  	[sflag:s8] =	ssyncset.s32 @!p0 $0xFFFFF086;
	s6 =	sadd.s32 @!p0 s3, s7;
	s7 =	simm.s32 @!p0 $0x108  }
0x21: {  	s3 =	sadd.s32 s3, s9;
	s6 =	sadd.s32 @!p0 $0x88, s6;
	s7 =	simm.s32 @p2 $0x1082  }
0x22: {  	[simem:s7], [sflag:s8] =	dma.local @!p0 [hbm:s6], $0xF7A  }
0x23: {  	s9 =	sor.u32 $0xD0000000, s2;
	s6 =	simm.s32 $0x108;
	_ =	swait.ge @!p0 [sflag:s8], $0x0  }
0x24: {  	s3 =	sadd.s32 $0x88, s3;
	s6 =	simm.s32 @!p1 $0x1082;
	[sflag:s4] =	ssyncset.s32 $0xFFFFF086  }
0x25: {  	[simem:s6], [sflag:s4] =	dma.local [hbm:s3], $0xF7A  }
0x26: {  	[smem:$0x3F98] =	sst s1;
	(tag) =	ssettag s2;
	_ =	strace s9  }
0x27: {  	s1 =	sld [smem:$0x3FA8]  }
0x28: {  	s2 =	sld [smem:$0x3FA9]  }
0x29: {  	s4 =	sld [smem:$0x3FAB]  }
0x2a: {  	p0 =	seq.s32 s5, $0x0;
	s5 =	sld [smem:$0x3FAC]  }
0x2b: {  	s6 =	sld [smem:$0x3FAD]  }
0x2c: {  	s7 =	sld [smem:$0x3FAE]  }
0x2d: {  	s3 =	simm.s32 $0x108;
	s8 =	sld [smem:$0x3FAF]  }
0x2e: {  	s3 =	simm.s32 @!p0 $0x1082;
	s9 =	sld [smem:$0x3FB0]  }
0x2f: {  	lr =	sadd.s32 s0, s3;
	s0 =	sld [smem:$0x3FA7]  }
0x30: {  	s3 =	sld [smem:$0x3FAA]  }
0x31: {  	[smem:$0x3FB3] =	sst s10  }
0x32: {  	s10 =	sld [smem:$0x3FB1];
	_ =	sdelay $0x3  }
0x33: {  	p0 =	seq.s32 s10, $0x1;
	s10 =	sld [smem:$0x3FB3];
	_ =	sdelay $0x3  }
0x34: {  	[smem:$0x3FB3] =	sst s10  }
0x35: {  	s10 =	sld [smem:$0x3FB2];
	_ =	sdelay $0x3  }
0x36: {  	p1 =	seq.s32 s10, $0x1;
	s10 =	sld [smem:$0x3FB3];
	_ =	sdelay $0x3  }
0x37: {  	[smem:$0x3FB3] =	sst s10  }
0x38: {  	s10 =	sld [smem:$0x3FB4]  }
0x39: {  	_ = 	snop;
	(pc) =	sbr.ind lr, $3  }
0x3a: {  	_ = 	snop  }
0x3b: {  	_ = 	snop  }
0x3c: {  	p2 =	seq.s32 s10, $0x1;
	s10 =	sld [smem:$0x3FB3]  }
0x3d: {  	_ =	shalt  }
0x3e: {  	_ =	shalt  }
0x3f: {  	_ =	shalt  }
0x40: {  	_ =	shalt  }
0x41: {  	_ =	shalt  }
0x42: {  	_ =	shalt  }
0x43: {  	_ =	shalt  }
0x44: {  	_ =	shalt  }
0x45: {  	_ =	shalt  }
0x46: {  	_ =	shalt  }
0x47: {  	_ =	shalt  }
0x48: {  	_ =	shalt  }
0x49: {  	_ =	shalt  }
0x4a: {  	_ =	shalt  }
0x4b: {  	_ =	shalt  }
0x4c: {  	_ =	shalt  }
0x4d: {  	_ =	shalt  }
0x4e: {  	_ =	shalt  }
0x4f: {  	_ =	shalt  }
0x50: {  	_ =	shalt  }
0x51: {  	_ =	shalt  }
0x52: {  	_ =	shalt  }
0x53: {  	_ =	shalt  }
0x54: {  	_ =	shalt  }
0x55: {  	_ =	shalt  }
0x56: {  	_ =	shalt  }
0x57: {  	_ =	shalt  }
0x58: {  	_ =	shalt  }
0x59: {  	_ =	shalt  }
0x5a: {  	_ =	shalt  }
0x5b: {  	_ =	shalt  }
0x5c: {  	_ =	shalt  }
0x5d: {  	_ =	shalt  }
0x5e: {  	_ =	shalt  }
0x5f: {  	_ =	shalt  }
0x60: {  	_ =	shalt  }
0x61: {  	_ =	shalt  }
0x62: {  	_ =	shalt  }
0x63: {  	_ =	shalt  }
0x64: {  	_ =	shalt  }
0x65: {  	_ =	shalt  }
0x66: {  	_ =	shalt  }
0x67: {  	_ =	shalt  }
0x68: {  	_ =	shalt  }
0x69: {  	_ =	shalt  }
0x6a: {  	_ =	shalt  }
0x6b: {  	_ =	shalt  }
0x6c: {  	_ =	shalt  }
0x6d: {  	_ =	shalt  }
0x6e: {  	_ =	shalt  }
0x6f: {  	_ =	shalt  }
0x70: {  	_ =	shalt  }
0x71: {  	_ =	shalt  }
0x72: {  	_ =	shalt  }
0x73: {  	_ =	shalt  }
0x74: {  	_ =	shalt  }
0x75: {  	_ =	shalt  }
0x76: {  	_ =	shalt  }
0x77: {  	_ =	shalt  }
0x78: {  	_ =	shalt  }
0x79: {  	_ =	shalt  }
0x7a: {  	_ =	shalt  }
0x7b: {  	_ =	shalt  }
0x7c: {  	_ =	shalt  }
0x7d: {  	_ =	shalt  }
0x7e: {  	_ =	shalt  }
0x7f: {  	_ =	shalt  }
0x80: {  	_ =	shalt  }
0x81: {  	_ =	shalt  }
0x82: {  	_ =	shalt  }
0x83: {  	_ =	shalt  }
0x84: {  	_ =	shalt  }
0x85: {  	_ =	shalt  }
0x86: {  	_ =	shalt  }
0x87: {  	_ =	shalt  }
.Lfunc_end0:
.L_simem_size_0:
called_computation_lowered:
.L_overlay_start_0:
0x88: {  	s2 =	sld [smem:$0x3FD9]  }
0x89: {  	s3 =	sld [smem:$0x3FFE];
	_ =	sdelay $0x1  }
0x8a: {  	s1 =	srdreg.scid  }
0x8b: {  	s0 =	sand.u32 $0x1, s1  }
0x8c: {  	s17 =	sshll.u32 s0, $0xA;
	s2 =	sadd.s32 s3, s2  }
0x8d: {  	s2 =	sadd.s32 s2, s17  }
0x8e: {  	[smem:$0x3FBF] =	sst s2  }
0x8f: {  	_ = 	snop  }
0x90: {  	s2 =	sld [smem:$0x3FD0];
	(tm) =	ssettm $0x1  }
0x91: {  	s18 =	sld [smem:$0x3FFB];
	_ =	sdelay $0x3  }
0x92: {  	_ =	strace s18  }
0x93: {  	s3 =	sld [smem:$0x3FFC];
	_ =	sdelay $0x3  }
0x94: {  	_ =	strace s3  }
0x95: {  	s3 =	sld [smem:$0x3FFD];
	_ =	sdelay $0x3  }
0x96: {  	_ =	strace s3  }
0x97: {  	_ =	strace $0x8FFFFFFF  }
0x98: {  	s19 =	sld [smem:$0x3FDB];
	_ =	sdelay $0x1  }
0x99: {  	s4 =	simm.s32 $_scs_section_size  }
0x9a: {  	s5 =	simm.s32 $_size__tile_overlayer_lowered;
	s6 =	simm.s32 $_tile_overlayer_lowered  }
0x9b: {  	s22 =	simm.s32 $0x1BFF;
	s21 =	sshll.u32 s6, $0x1;
	s3 =	sadd.s32 s4, s19  }
0x9c: {  	s7 =	simm.s32 $0x0;
	s20 =	sshll.u32 s5, $0x1;
	s5 =	sadd.s32 s21, s3  }
0x9d: {  	[timem:s7], [sflag:s22] =	dma.local [hbm:s5], s20  }
0x9e: {  	_ =	swait.ge [sflag:s22], s20  }
0x9f: {  	s4 =	ssub.s32 $0x0, s20;
	[sflag:s22] =	ssyncset.done $0x0  }
0xa0: {  	[sflag:s22] =	ssyncadd.s32 s4;
	_ =	sdelay $0x1  }
0xa1: {  	s23 =	simm.s32 $0x1B8B  }
0xa2: {  	_ =	swait.ge [sflag:s23], $0x1  }
0xa3: {  	[sflag:s23] =	ssyncset.done $0x0  }
0xa4: {  	s25 =	simm.s32 $0x1B8E;
	s24 =	sld [smem:$0x3FFE];
	[sflag:s23] =	ssyncadd.s32 $0xFFFFFFFF  }
0xa5: {  	s26 =	simm.s32 $execute0_lowered;
	[smem:$0x3FD2] =	sst s25  }
0xa6: {  	s5 =	sshll.u32 s26, $0x1;
	_ =	strace $0x80000046;
	[dreg:$0x1] =	wrdreg $0xFFFFFFFF  }
0xa7: {  	s28 =	simm.s32 $_size_execute0_lowered;
	s3 =	sadd.s32 s3, s5;
	[dreg:$0x0] =	wrdreg $0x0  }
0xa8: {  	s5 =	sshll.u32 s28, $0x1;
	[dreg:$0x2] =	wrdreg s3  }
0xa9: {  	[dreg:$0x3] =	wrdreg s5  }
0xaa: {  	[dreg:$0x4] =	wrdreg $0xC0  }
0xab: {  	_ =	task [dreg:s7], $0x5FFFF  }
0xac: {  	[dreg:$0x1] =	wrdreg $0xFFFFFFFF  }
0xad: {  	[dreg:$0x0] =	wrdreg $0x60  }
0xae: {  	[dreg:$0x2] =	wrdreg s2  }
0xaf: {  	[dreg:$0x3] =	wrdreg s24  }
0xb0: {  	[dreg:$0x4] =	wrdreg $0x9  }
0xb1: {  	_ =	task.clear_ibuf [dreg:s7], $0x5FFFF;
	_ =	strace $0x90000046  }
0xb2: {  	s29 =	simm.s32 $0x9;
	_ =	strace $0x80000048  }
0xb3: {  	_ =	swait.ge [sflag:s29], $0x1  }
0xb4: {  	[sflag:s29] =	ssyncadd.s32 $0xFFFFFFFF  }
0xb5: {  	_ =	strace $0x90000048  }
0xb6: {  	_ =	sfence  }
0xb7: {  	s30 =	sld [smem:$0x0];
	_ =	sdelay $0x2  }
0xb8: {  	s31 =	sshll.u32 s1, $0xD;
	s1 =	sshrl.u32 s1, $0x2  }
0xb9: {  	s3 =	sand.u32 $0x4000, s31;
	s1 =	sadd.s32 s1, s30  }
0xba: {  	s0 =	sor.u32 s3, s0;
	s1 =	sshll.u32 s1, $0x11  }
0xbb: {  	s0 =	sor.u32 s1, s0  }
0xbc: {  	s0 =	sadd.s32 $0x8F2B, s0  }
0xbd: {  	[sflag:s0] =	ssyncadd.remote.s32 $0x1  }
0xbe: {  	_ =	sfence.sel $0xFFFF  }
0xbf: {  	[dreg:$0x0] =	wrdreg $0xFFFFFFFF;
	(pc) =	sbr.abs _section_cstart, $3  }
0xc0: {  	[dreg:$0x1] =	wrdreg $0xFFFFFFFF  }
0xc1: {  	_ =	task.clear_ibuf [dreg:s7], $0x2FFFF;
	_ =	strace $0x9FFFFFFF  }
0xc2: {  	(tm) =	ssettm $0x7FFFFFFF  }
0xc3: {  	_ =	shalt  }
tec
execute0_lowered:
.L_overlay_start_1:
0x0: {  	(tag) =	ssettag $0x1  }
0x1: {  	s1 =	stileid.u32  }
0x2: {  	p0 =	sgt.u32 s1, $0x3  }
.Ltmp0:
0x3: {  	_ = 	snop;
	(pc) =	sbr.rel @p0 .LBB2_4-.Ltmp0, $4  }
0x4: {  	s9 =	rddreg [dreg:$0x0]  }
0x5: {  	s11 =	rddreg [dreg:$0x1];
	s2 =	simm.s32 $0x0  }
0x6: {  	[smem:$0x7FF] =	sst s2  }
0x7: {  	s0 =	rddreg [dreg:$0x2];
	_ =	strace $0x80000047  }
0x8: {  	s3 =	srdreg.scid  }
0x9: {  	s15 =	sand.u32 $0x1, s3  }
0xa: {  	s31 =	sshll.u32 s1, $0x2;
	s4 =	sshll.u32 s15, $0x1  }
0xb: {  	s12 =	sor.u32 s4, s31  }
0xc: {  	s3 =	simm.s32 $0x1;
	s4 =	sadd.s32 s9, s12  }
0xd: {  	[tilespmem:s2], [sflag:$0x1] =	stream.linear.gather [hbm4b:s4+s2], $0x10, $0x38;
	[tilespmem:$0x400] =	vst v63  }
0xe: {  	_ =	swait.ge [sflag:s3], $0x10  }
0xf: {  	s13 =	sadd.s32 $0x10, s12;
	[sflag:s3] =	ssyncset.done $0x0  }
0x10: {  	s6 =	simm.s32 $0x80;
	s5 =	sadd.s32 s9, s13;
	[sflag:s3] =	ssyncadd.s32 $0xFFFFFFF0  }
0x11: {  	[tilespmem:s6], [sflag:$0x1] =	stream.linear.gather [hbm4b:s5+s2], $0x10, $0x38;
	[tilespmem:$0x400] =	vst v63  }
0x12: {  	_ =	swait.ge [sflag:s3], $0x10  }
0x13: {  	s16 =	sadd.s32 $0x20, s12;
	[sflag:s3] =	ssyncset.done $0x0  }
0x14: {  	s8 =	simm.s32 $0x100;
	s7 =	sadd.s32 s9, s16;
	[sflag:s3] =	ssyncadd.s32 $0xFFFFFFF0  }
0x15: {  	[tilespmem:s8], [sflag:$0x1] =	stream.linear.gather [hbm4b:s7+s2], $0x10, $0x38;
	[tilespmem:$0x400] =	vst v63  }
0x16: {  	_ =	swait.ge [sflag:s3], $0x10  }
0x17: {  	s17 =	sadd.s32 $0x30, s12;
	[sflag:s3] =	ssyncset.done $0x0  }
0x18: {  	s10 =	simm.s32 $0x180;
	s9 =	sadd.s32 s9, s17;
	[sflag:s3] =	ssyncadd.s32 $0xFFFFFFF0  }
0x19: {  	[tilespmem:s10], [sflag:$0x1] =	stream.linear.gather [hbm4b:s9+s2], $0x10, $0x38;
	[tilespmem:$0x400] =	vst v63  }
0x1a: {  	_ =	swait.ge [sflag:s3], $0x10  }
0x1b: {  	[sflag:s3] =	ssyncset.done $0x0  }
0x1c: {  	[sflag:s3] =	ssyncadd.s32 $0xFFFFFFF0  }
0x1d: {  	v1 =	vld [tilespmem:$0x180]  }
0x1e: {  	v2 =	vld [tilespmem:$0x0]  }
0x1f: {  	v3 =	vld [tilespmem:$0x100]  }
0x20: {  	v4 =	vld [tilespmem:$0x80];
	_ =	sdelay $0x4  }
0x21: {  	v0 =	vmax.f32 v3, v1;
	v5 =	vmax.f32 v2, v4  }
0x22: {  	v5 =	vmax.f32 v5, v0  }
0x23: {  	v0 =	vimm.f32 $3.000000000e+00;
	vm0 =	veq.f32 v3, v5  }
0x24: {  	vm1 =	veq.f32 v4, v5;
	v6 =	vsel vm0, $0x40000000, v0  }
0x25: {  	vm2 =	veq.f32 v2, v5;
	v6 =	vsel vm1, $0x3F800000, v6  }
0x26: {  	v2 =	vsel vm2, $0xF149F2CA, v2;
	v6 =	vsel vm2, $0x0, v6  }
0x27: {  	vm3 =	veq.f32 v6, $1.000000000e+00;
	vm10 =	veq.f32 v6, $2.000000000e+00;
	vm11 =	veq.f32 v6, $3.000000000e+00  }
0x28: {  	v4 =	vsel vm3, $0xF149F2CA, v4;
	v3 =	vsel vm10, $0xF149F2CA, v3;
	v1 =	vsel vm11, $0xF149F2CA, v1  }
0x29: {  	v62 =	vmax.f32 v2, v4;
	v1 =	vmax.f32 v3, v1  }
0x2a: {  	v1 =	vmax.f32 v62, v1  }
0x2b: {  	v5 =	vsub.f32 v1, v5;
	_ =	sdelay $0x1  }
0x2c: {  	v5 =	vmul.f32 $1.442695020e+00, v5;
	_ =	sdelay $0x1  }
0x2d: {  	(erf) = vpow2.f32 v5;
	_ =	sdelay $0x8  }
0x2e: {  	v5 =	vpop (erf)  }
0x2f: {  	v63 =	vadd.f32 $1.000000000e+00, v5;
	_ =	sdelay $0x1  }
0x30: {  	(erf) = vrcp.f32 v63;
	_ =	sdelay $0x8  }
0x31: {  	v6 =	vpop (erf)  }
0x32: {  	v5 =	vmul.f32 v6, v5  }
0x33: {  	vm4 =	veq.f32 v2, v1  }
0x34: {  	vm5 =	veq.f32 v3, v1;
	v2 =	vnsel vm2, $0x0, v6;
	v3 =	vnsel vm4, $0x0, v5  }
0x35: {  	vm12 =	veq.f32 v4, v1;
	v1 =	vsel vm5, $0x40000000, v0;
	v2 =	vadd.f32 v3, v2  }
0x36: {  	s18 =	sadd.s32 $0x1400, s11;
	v1 =	vsel vm12, $0x3F800000, v1  }
0x37: {  	s11 =	sadd.s32 s18, s12;
	s12 =	simm.s32 $0x200;
	v1 =	vsel vm4, $0x0, v1;
	[tilespmem:$0x200] =	vst v2  }
0x38: {  	vm13 =	veq.f32 v1, $1.000000000e+00;
	[hbm4b:s11+s2] =	stream.linear.scatter [tilespmem:s12], [sflag:$0x1], $0x10, $0x38;
	[tilespmem:$0x400] =	vst v63  }
0x39: {  	v3 =	vnsel vm13, $0x0, v5;
	v2 =	vnsel vm3, $0x0, v6;
	_ =	swait.ge [sflag:s3], $0x10  }
0x3a: {  	v2 =	vadd.f32 v3, v2;
	[sflag:s3] =	ssyncset.done $0x0  }
0x3b: {  	[sflag:s3] =	ssyncadd.s32 $0xFFFFFFF0  }
0x3c: {  	s14 =	simm.s32 $0x280;
	s19 =	ssub.s32 $0x2, s15;
	s13 =	sadd.s32 s18, s13;
	[tilespmem:$0x280] =	vst v2  }
0x3d: {  	vm14 =	veq.f32 v1, $2.000000000e+00;
	[hbm4b:s13+s2] =	stream.linear.scatter [tilespmem:s14], [sflag:$0x1], $0x10, $0x38;
	[tilespmem:$0x400] =	vst v63  }
0x3e: {  	s20 =	sshrl.u32 s19, $0x1;
	v3 =	vnsel vm14, $0x0, v5;
	v2 =	vnsel vm10, $0x0, v6;
	_ =	swait.ge [sflag:s3], $0x10  }
0x3f: {  	s19 =	ssub.s32 s19, s20;
	v2 =	vadd.f32 v3, v2;
	[sflag:s3] =	ssyncset.done $0x0  }
0x40: {  	s19 =	smax.u32 s19, $0x1;
	[sflag:s3] =	ssyncadd.s32 $0xFFFFFFF0  }
0x41: {  	s15 =	sadd.s32 s18, s16;
	s16 =	simm.s32 $0x300;
	p0 =	sne.s32 s19, $0x1;
	[tilespmem:$0x300] =	vst v2  }
0x42: {  	[hbm4b:s15+s2] =	stream.linear.scatter [tilespmem:s16], [sflag:$0x1], $0x10, $0x38;
	[tilespmem:$0x400] =	vst v63  }
.Ltmp1:
0x43: {  	vm15 =	veq.f32 v1, $3.000000000e+00;
	(pc) =	sbr.rel @!p0 .LBB2_3-.Ltmp1, $4  }
0x44: {  	v1 =	vnsel vm11, $0x0, v6;
	v2 =	vnsel vm15, $0x0, v5;
	_ =	swait.ge [sflag:s3], $0x10  }
0x45: {  	v1 =	vadd.f32 v2, v1;
	[sflag:s3] =	ssyncset.done $0x0  }
0x46: {  	[sflag:s3] =	ssyncadd.s32 $0xFFFFFFF0  }
0x47: {  	s17 =	sadd.s32 s18, s17;
	s18 =	simm.s32 $0x380;
	s19 =	sadd.s32 $0xFFFFFFFF, s19;
	[tilespmem:$0x380] =	vst v1  }
.LBB2_2:
0x48: {  	[hbm4b:s17+s2] =	stream.linear.scatter [tilespmem:s18], [sflag:$0x1], $0x10, $0x38;
	[tilespmem:$0x400] =	vst v63  }
0x49: {  	p0 =	sne.s32 s19, $0x1;
	s19 =	sadd.s32 $0xFFFFFFFF, s19;
	_ =	swait.ge [sflag:s3], $0x10  }
0x4a: {  	[sflag:s3] =	ssyncset.done $0x0  }
0x4b: {  	[sflag:s3] =	ssyncadd.s32 $0xFFFFFFF0  }
0x4c: {  	[tilespmem:s2], [sflag:$0x1] =	stream.linear.gather [hbm4b:s4+s2], $0x10, $0x38;
	[tilespmem:$0x400] =	vst v63  }
0x4d: {  	_ =	swait.ge [sflag:s3], $0x10  }
0x4e: {  	[sflag:s3] =	ssyncset.done $0x0  }
0x4f: {  	[sflag:s3] =	ssyncadd.s32 $0xFFFFFFF0  }
0x50: {  	[tilespmem:s6], [sflag:$0x1] =	stream.linear.gather [hbm4b:s5+s2], $0x10, $0x38;
	[tilespmem:$0x400] =	vst v63  }
0x51: {  	_ =	swait.ge [sflag:s3], $0x10  }
0x52: {  	[sflag:s3] =	ssyncset.done $0x0  }
0x53: {  	[sflag:s3] =	ssyncadd.s32 $0xFFFFFFF0  }
0x54: {  	[tilespmem:s8], [sflag:$0x1] =	stream.linear.gather [hbm4b:s7+s2], $0x10, $0x38;
	[tilespmem:$0x400] =	vst v63  }
0x55: {  	_ =	swait.ge [sflag:s3], $0x10  }
0x56: {  	[sflag:s3] =	ssyncset.done $0x0  }
0x57: {  	[sflag:s3] =	ssyncadd.s32 $0xFFFFFFF0  }
0x58: {  	[tilespmem:s10], [sflag:$0x1] =	stream.linear.gather [hbm4b:s9+s2], $0x10, $0x38;
	[tilespmem:$0x400] =	vst v63  }
0x59: {  	_ =	swait.ge [sflag:s3], $0x10  }
0x5a: {  	[sflag:s3] =	ssyncset.done $0x0  }
0x5b: {  	[sflag:s3] =	ssyncadd.s32 $0xFFFFFFF0  }
0x5c: {  	v1 =	vld [tilespmem:$0x180]  }
0x5d: {  	v2 =	vld [tilespmem:$0x0]  }
0x5e: {  	v3 =	vld [tilespmem:$0x100]  }
0x5f: {  	v4 =	vld [tilespmem:$0x80];
	_ =	sdelay $0x3  }
0x60: {  	v5 =	vmax.f32 v3, v1  }
0x61: {  	v6 =	vmax.f32 v2, v4  }
0x62: {  	v5 =	vmax.f32 v6, v5  }
0x63: {  	vm0 =	veq.f32 v2, v5;
	vm1 =	veq.f32 v4, v5;
	vm2 =	veq.f32 v3, v5  }
0x64: {  	v6 =	vsel vm2, $0x40000000, v0;
	v2 =	vsel vm0, $0xF149F2CA, v2  }
0x65: {  	v6 =	vsel vm1, $0x3F800000, v6  }
0x66: {  	v6 =	vsel vm0, $0x0, v6  }
0x67: {  	vm3 =	veq.f32 v6, $1.000000000e+00;
	vm1 =	veq.f32 v6, $2.000000000e+00;
	vm2 =	veq.f32 v6, $3.000000000e+00  }
0x68: {  	v4 =	vsel vm3, $0xF149F2CA, v4;
	v3 =	vsel vm1, $0xF149F2CA, v3;
	v1 =	vsel vm2, $0xF149F2CA, v1  }
0x69: {  	v6 =	vmax.f32 v2, v4;
	v1 =	vmax.f32 v3, v1  }
0x6a: {  	v1 =	vmax.f32 v6, v1  }
0x6b: {  	vm5 =	veq.f32 v4, v1;
	vm4 =	veq.f32 v3, v1;
	v3 =	vsub.f32 v1, v5  }
0x6c: {  	v4 =	vsel vm4, $0x40000000, v0  }
0x6d: {  	vm4 =	veq.f32 v2, v1;
	v1 =	vsel vm5, $0x3F800000, v4;
	v2 =	vmul.f32 $1.442695020e+00, v3  }
0x6e: {  	v1 =	vsel vm4, $0x0, v1  }
0x6f: {  	(erf) = vpow2.f32 v2;
	_ =	sdelay $0x8  }
0x70: {  	v2 =	vpop (erf)  }
0x71: {  	v3 =	vadd.f32 $1.000000000e+00, v2;
	_ =	sdelay $0x1  }
0x72: {  	(erf) = vrcp.f32 v3;
	_ =	sdelay $0x8  }
0x73: {  	vm5 =	veq.f32 v1, $2.000000000e+00;
	vm6 =	veq.f32 v1, $3.000000000e+00;
	v3 =	vpop (erf)  }
0x74: {  	v2 =	vmul.f32 v3, v2;
	v4 =	vnsel vm0, $0x0, v3;
	v5 =	vnsel vm3, $0x0, v3  }
0x75: {  	vm0 =	veq.f32 v1, $1.000000000e+00;
	v1 =	vnsel vm1, $0x0, v3;
	v3 =	vnsel vm2, $0x0, v3  }
0x76: {  	v6 =	vnsel vm4, $0x0, v2;
	v7 =	vnsel vm0, $0x0, v2;
	v8 =	vnsel vm5, $0x0, v2  }
0x77: {  	v2 =	vnsel vm6, $0x0, v2;
	v4 =	vadd.f32 v6, v4;
	_ =	sdelay $0x1  }
0x78: {  	[tilespmem:$0x200] =	vst v4  }
0x79: {  	[hbm4b:s11+s2] =	stream.linear.scatter [tilespmem:s12], [sflag:$0x1], $0x10, $0x38;
	[tilespmem:$0x400] =	vst v63  }
0x7a: {  	v4 =	vadd.f32 v7, v5;
	_ =	swait.ge [sflag:s3], $0x10  }
0x7b: {  	[sflag:s3] =	ssyncset.done $0x0  }
0x7c: {  	[sflag:s3] =	ssyncadd.s32 $0xFFFFFFF0  }
0x7d: {  	[tilespmem:$0x280] =	vst v4  }
0x7e: {  	[hbm4b:s13+s2] =	stream.linear.scatter [tilespmem:s14], [sflag:$0x1], $0x10, $0x38;
	[tilespmem:$0x400] =	vst v63  }
0x7f: {  	v1 =	vadd.f32 v8, v1;
	_ =	swait.ge [sflag:s3], $0x10  }
0x80: {  	[sflag:s3] =	ssyncset.done $0x0  }
0x81: {  	[sflag:s3] =	ssyncadd.s32 $0xFFFFFFF0  }
0x82: {  	[tilespmem:$0x300] =	vst v1  }
0x83: {  	[hbm4b:s15+s2] =	stream.linear.scatter [tilespmem:s16], [sflag:$0x1], $0x10, $0x38;
	[tilespmem:$0x400] =	vst v63  }
.Ltmp2:
0x84: {  	_ = 	snop;
	(pc) =	sbr.rel @p0 .LBB2_2-.Ltmp2, $4  }
0x85: {  	v1 =	vadd.f32 v2, v3;
	_ =	swait.ge [sflag:s3], $0x10  }
0x86: {  	[sflag:s3] =	ssyncset.done $0x0  }
0x87: {  	[sflag:s3] =	ssyncadd.s32 $0xFFFFFFF0  }
0x88: {  	[tilespmem:$0x380] =	vst v1  }
.LBB2_3:
0x89: {  	[hbm4b:s17+s2] =	stream.linear.scatter [tilespmem:s18], [sflag:$0x1], $0x10, $0x38;
	[tilespmem:$0x400] =	vst v63  }
0x8a: {  	_ =	swait.ge [sflag:s3], $0x10  }
0x8b: {  	[sflag:s3] =	ssyncset.done $0x0  }
0x8c: {  	[sflag:s3] =	ssyncadd.s32 $0xFFFFFFF0  }
.LBB2_4:
0x8d: {  	_ =	sfence.sel $0x180000  }
0x8e: {  	[bflag:$0x0] =	sbarrier.arrive $0xFFFF  }
0x8f: {  	p0 =	sne.s32 s1, $0x0;
	_ =	strace $0x90000047  }
0x90: {  	s0 =	sadd.s32 @!p0 $0x100000, s0;
	[bflag:$0x2] =	sbarrier.arrive $0xFFFF  }
0x91: {  	[sflag:s0] =	ssyncadd.tile.s32 @!p0 $0x1;
	_ =	shalt  }
.Lfunc_end2:
_tile_overlayer_lowered:
.L_overlay_start_2:
0x92: {  	(tag) =	ssettag $0x2  }
0x93: {  	s0 =	rddreg [dreg:$0x0];
	s2 =	stileid.u32  }
0x94: {  	s1 =	rddreg [dreg:$0x1];
	p0 =	sne.s32 s2, $0x0  }
0x95: {  	s3 =	rddreg [dreg:$0x2];
	[bflag:$0x3] =	sbarrier.arrive $0xFFFF;
	s2 =	simm.s32 @!p0 $0x1C01  }
0x96: {  	[timem:s3], [sflag:s2] =	dma.local @!p0 [hbm:s0], s1  }
0x97: {  	s0 =	simm.s32 @!p0 $0x1  }
0x98: {  	_ =	swait.ge @!p0 [sflag:s0], s1  }
0x99: {  	s1 =	ssub.s32 @!p0 $0x0, s1;
	[sflag:s0] =	ssyncset.done @!p0 $0x0  }
0x9a: {  	[sflag:s0] =	ssyncadd.s32 @!p0 s1  }
0x9b: {  	[bflag:$0x3] =	sbarrier.arrive $0xFFFF  }
0x9c: {  	_ =	shalt  }

</sc_bundles>
